<compile_context>
chip_gen: v7x
topology: tpu7x:2x2x1
jax: 0.10.2.dev20260603
libtpu: 0.0.44.dev20260713+nightly
codegen_flags: <defaults>
</compile_context>

<pallas_src>
import functools

import jax
import jax.numpy as jnp
from jax import lax
from jax.experimental import pallas as pl
from jax.experimental.pallas import tpu as pltpu
from jax.experimental.pallas import tpu_sc as plsc

N = 10000
E = 320000
D = 128
NP = 10240
EP = 327680
TRASH = 10016
NTILES = 32
KCH = 80
BCH = 128
NCHUNK = EP // BCH
RPS = NP // 16

_mesh = plsc.VectorSubcoreMesh(core_axis_name="c", subcore_axis_name="s")


def _mk_probe(do_gather, do_scatter):
    @functools.partial(
        pl.kernel,
        mesh=_mesh,
        out_type=jax.ShapeDtypeStruct((2, NP, D), jnp.float32),
        scratch_types=[
            pltpu.VMEM((2, BCH), jnp.int32),
            pltpu.VMEM((2, BCH), jnp.int32),
            pltpu.VMEM((BCH, D), jnp.float32),
            pltpu.VMEM((BCH, D), jnp.float32),
            pltpu.VMEM_SHARED((NP, D), jnp.float32),
            pltpu.SemaphoreType.DMA,
            pltpu.SemaphoreType.DMA,
            pltpu.SemaphoreType.DMA,
            pltpu.SemaphoreType.DMA,
        ],
        compiler_params=pltpu.CompilerParams(needs_layout_passes=False),
    )
    def k(hd, idxb, zrows, accp, ib0, ib1, rb0, rb1, accsh,
          isem0, isem1, gsem0, gsem1):
        cid = lax.axis_index("c")
        sid = lax.axis_index("s")
        base = (cid * 16 + sid) * KCH
        pltpu.sync_copy(zrows, accsh.at[pl.ds(sid * RPS, RPS)])
        pltpu.async_copy(idxb.at[base], ib0, isem0)
        pltpu.async_copy(idxb.at[base + 1], ib1, isem1)
        plsc.subcore_barrier()
        pltpu.make_async_copy(idxb.at[base], ib0, isem0).wait()
        if do_gather:
            pltpu.async_copy(hd.at[ib0.at[0]], rb0, gsem0)

        def body(j, _):
            c = base + 2 * j
            pltpu.make_async_copy(idxb.at[c + 1], ib1, isem1).wait()
            if do_gather:
                pltpu.async_copy(hd.at[ib1.at[0]], rb1, gsem1)
                pltpu.make_async_copy(hd.at[ib0.at[0]], rb0, gsem0).wait()
            if do_scatter:
                pltpu.sync_copy(rb0, accsh.at[ib0.at[1]], add=True)

            @pl.when(j < KCH // 2 - 1)
            def _():
                pltpu.async_copy(idxb.at[c + 2], ib0, isem0)
                pltpu.make_async_copy(idxb.at[c + 2], ib0, isem0).wait()
                if do_gather:
                    pltpu.async_copy(hd.at[ib0.at[0]], rb0, gsem0)

            if do_gather:
                pltpu.make_async_copy(hd.at[ib1.at[0]], rb1, gsem1).wait()
            if do_scatter:
                pltpu.sync_copy(rb1, accsh.at[ib1.at[1]], add=True)

            @pl.when(j < KCH // 2 - 1)
            def _():
                pltpu.async_copy(idxb.at[c + 3], ib1, isem1)

            return 0

        lax.fori_loop(0, KCH // 2, body, 0)
        plsc.subcore_barrier()
        pltpu.sync_copy(accsh.at[pl.ds(sid * RPS, RPS)],
                        accp.at[cid, pl.ds(sid * RPS, RPS)])

    return k


_p_zd = _mk_probe(False, False)
_p_g = _mk_probe(True, False)
_p_s = _mk_probe(False, True)
_p_full = _mk_probe(True, True)


def kernel(x, edge_index, W0, b0, W1, b1, W2, b2, g0, be0, g1, be1, g2, be2):
    src = edge_index[0].astype(jnp.int32)
    dst = edge_index[1].astype(jnp.int32)
    pad = EP - E
    fill = jnp.full((pad,), TRASH, jnp.int32)
    srcb = jnp.concatenate([src, fill]).reshape(NCHUNK, 1, BCH)
    dstb = jnp.concatenate([dst, fill]).reshape(NCHUNK, 1, BCH)
    idxb = jnp.concatenate([srcb, dstb], axis=1)
    hd = jnp.pad(x, ((0, NP - N), (0, 0)))
    zrows = jnp.zeros((RPS, D), jnp.float32)

    a = _p_zd(hd, idxb, zrows)
    b = _p_g(hd, idxb, zrows)
    c = _p_s(hd, idxb, zrows)
    d = _p_full(hd, idxb, zrows)
    return a.sum() + b.sum() + c.sum() + d.sum()

# --- scband reference (transcript-rebuilt; emitter-appended) ---
"""Pipeline reference for scband-gcn-29008209117747 (READ-ONLY COPY).

The authoritative reference and input builder live on the scoring server;
editing this copy changes nothing except your own understanding.
"""

import jax, jax.numpy as jnp
import numpy as np

N = 10000
E = 320000
D = 128

def _gcn_conv(x, src, dst, W, b, num_nodes):
    # PyG GCNConv with add_self_loops=True, normalize=True
    loop = jnp.arange(num_nodes, dtype=src.dtype)
    s = jnp.concatenate([src, loop])
    d = jnp.concatenate([dst, loop])
    deg = jnp.zeros((num_nodes,), dtype=x.dtype).at[d].add(1.0)
    dinv = jax.lax.rsqrt(deg)
    norm = dinv[s] * dinv[d]
    h = x @ W
    msg = h[s] * norm[:, None]
    out = jnp.zeros((num_nodes, W.shape[1]), dtype=x.dtype).at[d].add(msg)
    return out + b

def _layer_norm(x, g, b, eps=1e-5):
    mu = jnp.mean(x, axis=-1, keepdims=True)
    var = jnp.mean((x - mu) ** 2, axis=-1, keepdims=True)
    return (x - mu) / jnp.sqrt(var + eps) * g + b

def setup_inputs(seed: int = 0) -> dict:
    key = jax.random.key(seed)
    ks = [jax.random.fold_in(key, i) for i in range(16)]
    x = jax.random.normal(ks[0], (N, D), dtype=jnp.float32)
    edge_index = jax.random.randint(ks[1], (2, E), 0, N).astype(jnp.int64)
    scale = 1.0 / np.sqrt(D)
    inp = {"x": x, "edge_index": edge_index}
    for i in range(3):
        inp[f"W{i}"] = jax.random.normal(ks[2 + 2 * i], (D, D), dtype=jnp.float32) * scale
        inp[f"b{i}"] = jnp.zeros((D,), dtype=jnp.float32)
        inp[f"g{i}"] = jnp.ones((D,), dtype=jnp.float32)
        inp[f"be{i}"] = jnp.zeros((D,), dtype=jnp.float32)
    return inp

def reference(x, edge_index, W0, b0, W1, b1, W2, b2, g0, be0, g1, be1, g2, be2):
    src = edge_index[0]
    dst = edge_index[1]
    h = _gcn_conv(x, src, dst, W0, b0, N)
    h = _layer_norm(h, g0, be0)
    h = jax.nn.relu(h)
    h = _gcn_conv(h, src, dst, W1, b1, N)
    h = _layer_norm(h, g1, be1)
    h = jax.nn.relu(h)
    h = _gcn_conv(h, src, dst, W2, b2, N)
    h = _layer_norm(h, g2, be2)
    return h

if __name__ == "__main__":
    import jax
    _d = setup_inputs()
    print(jax.jit(kernel)(*tuple(_d.values())))

</pallas_src>

<mosaic_0001>
#map = affine_map<(d0, d1) -> (0, 0)>
#map1 = affine_map<(d0, d1) -> (0, 0, 0)>
module attributes {stable_mosaic.version = 14 : i64} {
  func.func @k(%arg0: i32, %arg1: i32, %arg2: memref<10240x128xf32, #tpu.memory_space<hbm>>, %arg3: memref<2560x2x128xi32, #tpu.memory_space<hbm>>, %arg4: memref<640x128xf32, #tpu.memory_space<hbm>>, %arg5: memref<2x10240x128xf32, #tpu.memory_space<hbm>>, %arg6: memref<2x128xi32, #tpu.memory_space<vmem>>, %arg7: memref<2x128xi32, #tpu.memory_space<vmem>>, %arg8: memref<128x128xf32, #tpu.memory_space<vmem>>, %arg9: memref<128x128xf32, #tpu.memory_space<vmem>>, %arg10: memref<10240x128xf32, #tpu.memory_space<vmem_shared>>, %arg11: memref<!tpu.dma_semaphore, #tpu.memory_space<semaphore_mem>>, %arg12: memref<!tpu.dma_semaphore, #tpu.memory_space<semaphore_mem>>, %arg13: memref<!tpu.dma_semaphore, #tpu.memory_space<semaphore_mem>>, %arg14: memref<!tpu.dma_semaphore, #tpu.memory_space<semaphore_mem>>) attributes {dimension_semantics = [#tpu.dimension_semantics<core_parallel>, #tpu.dimension_semantics<subcore_parallel>], iteration_bounds = array<i64: 2, 16>, scalar_prefetch = 0 : i64, scratch_operands = 9 : i64, tpu.core_type = #tpu.core_type<sc_vector_subcore>, window_params = [{transform_indices = #map}, {transform_indices = #map1}, {transform_indices = #map}, {transform_indices = #map1}]} {
    %mul3A = arith.constant 16 : i32
    %mul3A_0 = arith.muli %arg0, %mul3A : i32
    %add3A = arith.addi %mul3A_0, %arg1 : i32
    %mul3A_1 = arith.constant 80 : i32
    %mul3A_2 = arith.muli %add3A, %mul3A_1 : i32
    %mul3A_3 = arith.constant 640 : i32
    %mul3A_4 = arith.muli %arg1, %mul3A_3 : i32
    "tpu.region"() ({
      %run_scoped3A = tpu.sem_alloc : memref<!tpu.dma_semaphore, #tpu.memory_space<semaphore_mem>>
      %dma_start3A_47 = arith.constant 0 : i32
      %dma_start3A_48 = tpu.memref_slice %arg10[%mul3A_4, %dma_start3A_47] : memref<10240x128xf32, #tpu.memory_space<vmem_shared>> -> memref<640x128xf32, #tpu.memory_space<vmem_shared>>
      tpu.enqueue_dma source(%arg4 : memref<640x128xf32, #tpu.memory_space<hbm>>) target(%dma_start3A_48 : memref<640x128xf32, #tpu.memory_space<vmem_shared>>) target_semaphore(%run_scoped3A : memref<!tpu.dma_semaphore, #tpu.memory_space<semaphore_mem>>)
      %dma_wait3A_49 = arith.constant 0 : i32
      %dma_wait3A_50 = tpu.memref_slice %arg10[%mul3A_4, %dma_wait3A_49] : memref<10240x128xf32, #tpu.memory_space<vmem_shared>> -> memref<640x128xf32, #tpu.memory_space<vmem_shared>>
      tpu.wait_dma2 semaphore(%run_scoped3A : memref<!tpu.dma_semaphore, #tpu.memory_space<semaphore_mem>>) src(%arg4 : memref<640x128xf32, #tpu.memory_space<hbm>>) dst(%dma_wait3A_50 : memref<640x128xf32, #tpu.memory_space<vmem_shared>>)
      tpu.yield
    }) : () -> ()
    %dma_start3A = arith.constant 0 : i32
    %dma_start3A_5 = arith.constant 0 : i32
    %dma_start3A_6 = tpu.memref_slice %arg3[%mul3A_2, %dma_start3A, %dma_start3A_5] : memref<2560x2x128xi32, #tpu.memory_space<hbm>> -> memref<1x2x128xi32, #tpu.memory_space<hbm>>
    %dma_start3A_7 = tpu.memref_squeeze %dma_start3A_6 : memref<1x2x128xi32, #tpu.memory_space<hbm>> -> memref<2x128xi32, #tpu.memory_space<hbm>>
    %dma_start3A_8 = arith.constant 0 : i32
    %dma_start3A_9 = arith.constant 0 : i32
    %dma_start3A_10 = tpu.memref_slice %arg3[%mul3A_2, %dma_start3A_8, %dma_start3A_9] : memref<2560x2x128xi32, #tpu.memory_space<hbm>> -> memref<1x2x128xi32, #tpu.memory_space<hbm>>
    %dma_start3A_11 = tpu.memref_squeeze %dma_start3A_10 : memref<1x2x128xi32, #tpu.memory_space<hbm>> -> memref<2x128xi32, #tpu.memory_space<hbm>>
    tpu.enqueue_dma source(%dma_start3A_11 : memref<2x128xi32, #tpu.memory_space<hbm>>) target(%arg6 : memref<2x128xi32, #tpu.memory_space<vmem>>) target_semaphore(%arg11 : memref<!tpu.dma_semaphore, #tpu.memory_space<semaphore_mem>>)
    %add3A_12 = arith.constant 1 : i32
    %add3A_13 = arith.addi %mul3A_2, %add3A_12 : i32
    %dma_start3A_14 = arith.constant 0 : i32
    %dma_start3A_15 = arith.constant 0 : i32
    %dma_start3A_16 = tpu.memref_slice %arg3[%add3A_13, %dma_start3A_14, %dma_start3A_15] : memref<2560x2x128xi32, #tpu.memory_space<hbm>> -> memref<1x2x128xi32, #tpu.memory_space<hbm>>
    %dma_start3A_17 = tpu.memref_squeeze %dma_start3A_16 : memref<1x2x128xi32, #tpu.memory_space<hbm>> -> memref<2x128xi32, #tpu.memory_space<hbm>>
    %dma_start3A_18 = arith.constant 0 : i32
    %dma_start3A_19 = arith.constant 0 : i32
    %dma_start3A_20 = tpu.memref_slice %arg3[%add3A_13, %dma_start3A_18, %dma_start3A_19] : memref<2560x2x128xi32, #tpu.memory_space<hbm>> -> memref<1x2x128xi32, #tpu.memory_space<hbm>>
    %dma_start3A_21 = tpu.memref_squeeze %dma_start3A_20 : memref<1x2x128xi32, #tpu.memory_space<hbm>> -> memref<2x128xi32, #tpu.memory_space<hbm>>
    tpu.enqueue_dma source(%dma_start3A_21 : memref<2x128xi32, #tpu.memory_space<hbm>>) target(%arg7 : memref<2x128xi32, #tpu.memory_space<vmem>>) target_semaphore(%arg12 : memref<!tpu.dma_semaphore, #tpu.memory_space<semaphore_mem>>)
    %barrier3A = arith.constant 0 : index
    tpu.barrier barrier_id(%barrier3A)
    %dma_wait3A = arith.constant 0 : i32
    %dma_wait3A_22 = arith.constant 0 : i32
    %dma_wait3A_23 = tpu.memref_slice %arg3[%mul3A_2, %dma_wait3A, %dma_wait3A_22] : memref<2560x2x128xi32, #tpu.memory_space<hbm>> -> memref<1x2x128xi32, #tpu.memory_space<hbm>>
    %dma_wait3A_24 = tpu.memref_squeeze %dma_wait3A_23 : memref<1x2x128xi32, #tpu.memory_space<hbm>> -> memref<2x128xi32, #tpu.memory_space<hbm>>
    %dma_wait3A_25 = arith.constant 0 : i32
    %dma_wait3A_26 = arith.constant 0 : i32
    %dma_wait3A_27 = tpu.memref_slice %arg3[%mul3A_2, %dma_wait3A_25, %dma_wait3A_26] : memref<2560x2x128xi32, #tpu.memory_space<hbm>> -> memref<1x2x128xi32, #tpu.memory_space<hbm>>
    %dma_wait3A_28 = tpu.memref_squeeze %dma_wait3A_27 : memref<1x2x128xi32, #tpu.memory_space<hbm>> -> memref<2x128xi32, #tpu.memory_space<hbm>>
    tpu.wait_dma2 semaphore(%arg11 : memref<!tpu.dma_semaphore, #tpu.memory_space<semaphore_mem>>) src(%dma_wait3A_28 : memref<2x128xi32, #tpu.memory_space<hbm>>) dst(%arg6 : memref<2x128xi32, #tpu.memory_space<vmem>>)
    %dma_start3A_29 = arith.constant 0 : i32
    %dma_start3A_30 = arith.constant 0 : i32
    %dma_start3A_31 = tpu.memref_slice %arg6[%dma_start3A_29, %dma_start3A_30] : memref<2x128xi32, #tpu.memory_space<vmem>> -> memref<1x128xi32, #tpu.memory_space<vmem>>
    %dma_start3A_32 = tpu.memref_squeeze %dma_start3A_31 : memref<1x128xi32, #tpu.memory_space<vmem>> -> memref<128xi32, #tpu.memory_space<vmem>>
    %dma_start3A_33 = arith.constant 0 : i32
    %dma_start3A_34 = arith.constant 0 : i32
    %dma_start3A_35 = tpu.memref_slice %arg2[%dma_start3A_33, %dma_start3A_34] : memref<10240x128xf32, #tpu.memory_space<hbm>> -> memref<10240x128xf32, #tpu.memory_space<hbm>>
    tpu.enqueue_indirect_dma source(%dma_start3A_35 : memref<10240x128xf32, #tpu.memory_space<hbm>>) target(%arg8 : memref<128x128xf32, #tpu.memory_space<vmem>>) offsets(%dma_start3A_32 : memref<128xi32, #tpu.memory_space<vmem>>) semaphore(%arg13 : memref<!tpu.dma_semaphore, #tpu.memory_space<semaphore_mem>>)
    %scan3A = arith.constant 0 : i32
    %scan3A_36 = arith.constant 0 : i32
    %scan3A_37 = arith.constant 40 : i32
    %scan3A_38 = arith.addi %scan3A_36, %scan3A_37 : i32
    %scan3A_39 = arith.constant 1 : i32
    %scan3A_40 = scf.for %scan3A_47 = %scan3A_36 to %scan3A_38 step %scan3A_39 iter_args(%scan3A_48 = %scan3A) -> (i32)  : i32 {
      %mul3A_49 = arith.constant 2 : i32
      %mul3A_50 = arith.muli %mul3A_49, %scan3A_47 : i32
      %add3A_51 = arith.addi %mul3A_2, %mul3A_50 : i32
      %add3A_52 = arith.constant 1 : i32
      %add3A_53 = arith.addi %add3A_51, %add3A_52 : i32
      %dma_wait3A_54 = arith.constant 0 : i32
      %dma_wait3A_55 = arith.constant 0 : i32
      %dma_wait3A_56 = tpu.memref_slice %arg3[%add3A_53, %dma_wait3A_54, %dma_wait3A_55] : memref<2560x2x128xi32, #tpu.memory_space<hbm>> -> memref<1x2x128xi32, #tpu.memory_space<hbm>>
      %dma_wait3A_57 = tpu.memref_squeeze %dma_wait3A_56 : memref<1x2x128xi32, #tpu.memory_space<hbm>> -> memref<2x128xi32, #tpu.memory_space<hbm>>
      %dma_wait3A_58 = arith.constant 0 : i32
      %dma_wait3A_59 = arith.constant 0 : i32
      %dma_wait3A_60 = tpu.memref_slice %arg3[%add3A_53, %dma_wait3A_58, %dma_wait3A_59] : memref<2560x2x128xi32, #tpu.memory_space<hbm>> -> memref<1x2x128xi32, #tpu.memory_space<hbm>>
      %dma_wait3A_61 = tpu.memref_squeeze %dma_wait3A_60 : memref<1x2x128xi32, #tpu.memory_space<hbm>> -> memref<2x128xi32, #tpu.memory_space<hbm>>
      tpu.wait_dma2 semaphore(%arg12 : memref<!tpu.dma_semaphore, #tpu.memory_space<semaphore_mem>>) src(%dma_wait3A_61 : memref<2x128xi32, #tpu.memory_space<hbm>>) dst(%arg7 : memref<2x128xi32, #tpu.memory_space<vmem>>)
      %dma_start3A_62 = arith.constant 0 : i32
      %dma_start3A_63 = arith.constant 0 : i32
      %dma_start3A_64 = tpu.memref_slice %arg7[%dma_start3A_62, %dma_start3A_63] : memref<2x128xi32, #tpu.memory_space<vmem>> -> memref<1x128xi32, #tpu.memory_space<vmem>>
      %dma_start3A_65 = tpu.memref_squeeze %dma_start3A_64 : memref<1x128xi32, #tpu.memory_space<vmem>> -> memref<128xi32, #tpu.memory_space<vmem>>
      %dma_start3A_66 = arith.constant 0 : i32
      %dma_start3A_67 = arith.constant 0 : i32
      %dma_start3A_68 = tpu.memref_slice %arg2[%dma_start3A_66, %dma_start3A_67] : memref<10240x128xf32, #tpu.memory_space<hbm>> -> memref<10240x128xf32, #tpu.memory_space<hbm>>
      tpu.enqueue_indirect_dma source(%dma_start3A_68 : memref<10240x128xf32, #tpu.memory_space<hbm>>) target(%arg9 : memref<128x128xf32, #tpu.memory_space<vmem>>) offsets(%dma_start3A_65 : memref<128xi32, #tpu.memory_space<vmem>>) semaphore(%arg14 : memref<!tpu.dma_semaphore, #tpu.memory_space<semaphore_mem>>)
      %dma_wait3A_69 = arith.constant 0 : i32
      %dma_wait3A_70 = arith.constant 0 : i32
      %dma_wait3A_71 = tpu.memref_slice %arg6[%dma_wait3A_69, %dma_wait3A_70] : memref<2x128xi32, #tpu.memory_space<vmem>> -> memref<1x128xi32, #tpu.memory_space<vmem>>
      %dma_wait3A_72 = tpu.memref_squeeze %dma_wait3A_71 : memref<1x128xi32, #tpu.memory_space<vmem>> -> memref<128xi32, #tpu.memory_space<vmem>>
      %dma_wait3A_73 = arith.constant 0 : i32
      %dma_wait3A_74 = arith.constant 0 : i32
      %dma_wait3A_75 = tpu.memref_slice %arg2[%dma_wait3A_73, %dma_wait3A_74] : memref<10240x128xf32, #tpu.memory_space<hbm>> -> memref<10240x128xf32, #tpu.memory_space<hbm>>
      tpu.wait_indirect_dma semaphore(%arg13 : memref<!tpu.dma_semaphore, #tpu.memory_space<semaphore_mem>>) src(%dma_wait3A_75 : memref<10240x128xf32, #tpu.memory_space<hbm>>) dst(%arg8 : memref<128x128xf32, #tpu.memory_space<vmem>>)
      %run_scoped3A = arith.constant 1 : i32
      "tpu.region"() ({
        %run_scoped3A_92 = tpu.sem_alloc : memref<!tpu.dma_semaphore, #tpu.memory_space<semaphore_mem>>
        %dma_start3A_93 = arith.constant 0 : i32
        %dma_start3A_94 = tpu.memref_slice %arg6[%run_scoped3A, %dma_start3A_93] : memref<2x128xi32, #tpu.memory_space<vmem>> -> memref<1x128xi32, #tpu.memory_space<vmem>>
        %dma_start3A_95 = tpu.memref_squeeze %dma_start3A_94 : memref<1x128xi32, #tpu.memory_space<vmem>> -> memref<128xi32, #tpu.memory_space<vmem>>
        %dma_start3A_96 = arith.constant 0 : i32
        %dma_start3A_97 = arith.constant 0 : i32
        %dma_start3A_98 = tpu.memref_slice %arg10[%dma_start3A_96, %dma_start3A_97] : memref<10240x128xf32, #tpu.memory_space<vmem_shared>> -> memref<10240x128xf32, #tpu.memory_space<vmem_shared>>
        tpu.enqueue_indirect_dma source(%arg8 : memref<128x128xf32, #tpu.memory_space<vmem>>) target(%dma_start3A_98 : memref<10240x128xf32, #tpu.memory_space<vmem_shared>>) offsets(%dma_start3A_95 : memref<128xi32, #tpu.memory_space<vmem>>) semaphore(%run_scoped3A_92 : memref<!tpu.dma_semaphore, #tpu.memory_space<semaphore_mem>>) {add = true}
        %dma_wait3A_99 = arith.constant 0 : i32
        %dma_wait3A_100 = tpu.memref_slice %arg6[%run_scoped3A, %dma_wait3A_99] : memref<2x128xi32, #tpu.memory_space<vmem>> -> memref<1x128xi32, #tpu.memory_space<vmem>>
        %dma_wait3A_101 = tpu.memref_squeeze %dma_wait3A_100 : memref<1x128xi32, #tpu.memory_space<vmem>> -> memref<128xi32, #tpu.memory_space<vmem>>
        %dma_wait3A_102 = arith.constant 0 : i32
        %dma_wait3A_103 = arith.constant 0 : i32
        %dma_wait3A_104 = tpu.memref_slice %arg10[%dma_wait3A_102, %dma_wait3A_103] : memref<10240x128xf32, #tpu.memory_space<vmem_shared>> -> memref<10240x128xf32, #tpu.memory_space<vmem_shared>>
        tpu.wait_indirect_dma semaphore(%run_scoped3A_92 : memref<!tpu.dma_semaphore, #tpu.memory_space<semaphore_mem>>) src(%arg8 : memref<128x128xf32, #tpu.memory_space<vmem>>) dst(%dma_wait3A_104 : memref<10240x128xf32, #tpu.memory_space<vmem_shared>>)
        tpu.yield
      }) : () -> ()
      %lt3A = arith.constant 39 : i32
      %lt3A_76 = arith.cmpi slt, %scan3A_47, %lt3A : i32
      %convert_element_type3A = arith.extui %lt3A_76 : i1 to i32
      %cond3A = arith.constant 0 : i32
      %cond3A_77 = arith.cmpi ne, %convert_element_type3A, %cond3A : i32
      scf.if %cond3A_77 {
        %add3A_92 = arith.constant 2 : i32
        %add3A_93 = arith.addi %add3A_51, %add3A_92 : i32
        %dma_start3A_94 = arith.constant 0 : i32
        %dma_start3A_95 = arith.constant 0 : i32
        %dma_start3A_96 = tpu.memref_slice %arg3[%add3A_93, %dma_start3A_94, %dma_start3A_95] : memref<2560x2x128xi32, #tpu.memory_space<hbm>> -> memref<1x2x128xi32, #tpu.memory_space<hbm>>
        %dma_start3A_97 = tpu.memref_squeeze %dma_start3A_96 : memref<1x2x128xi32, #tpu.memory_space<hbm>> -> memref<2x128xi32, #tpu.memory_space<hbm>>
        %dma_start3A_98 = arith.constant 0 : i32
        %dma_start3A_99 = arith.constant 0 : i32
        %dma_start3A_100 = tpu.memref_slice %arg3[%add3A_93, %dma_start3A_98, %dma_start3A_99] : memref<2560x2x128xi32, #tpu.memory_space<hbm>> -> memref<1x2x128xi32, #tpu.memory_space<hbm>>
        %dma_start3A_101 = tpu.memref_squeeze %dma_start3A_100 : memref<1x2x128xi32, #tpu.memory_space<hbm>> -> memref<2x128xi32, #tpu.memory_space<hbm>>
        tpu.enqueue_dma source(%dma_start3A_101 : memref<2x128xi32, #tpu.memory_space<hbm>>) target(%arg6 : memref<2x128xi32, #tpu.memory_space<vmem>>) target_semaphore(%arg11 : memref<!tpu.dma_semaphore, #tpu.memory_space<semaphore_mem>>)
        %add3A_102 = arith.constant 2 : i32
        %add3A_103 = arith.addi %add3A_51, %add3A_102 : i32
        %dma_wait3A_104 = arith.constant 0 : i32
        %dma_wait3A_105 = arith.constant 0 : i32
        %dma_wait3A_106 = tpu.memref_slice %arg3[%add3A_103, %dma_wait3A_104, %dma_wait3A_105] : memref<2560x2x128xi32, #tpu.memory_space<hbm>> -> memref<1x2x128xi32, #tpu.memory_space<hbm>>
        %dma_wait3A_107 = tpu.memref_squeeze %dma_wait3A_106 : memref<1x2x128xi32, #tpu.memory_space<hbm>> -> memref<2x128xi32, #tpu.memory_space<hbm>>
        %dma_wait3A_108 = arith.constant 0 : i32
        %dma_wait3A_109 = arith.constant 0 : i32
        %dma_wait3A_110 = tpu.memref_slice %arg3[%add3A_103, %dma_wait3A_108, %dma_wait3A_109] : memref<2560x2x128xi32, #tpu.memory_space<hbm>> -> memref<1x2x128xi32, #tpu.memory_space<hbm>>
        %dma_wait3A_111 = tpu.memref_squeeze %dma_wait3A_110 : memref<1x2x128xi32, #tpu.memory_space<hbm>> -> memref<2x128xi32, #tpu.memory_space<hbm>>
        tpu.wait_dma2 semaphore(%arg11 : memref<!tpu.dma_semaphore, #tpu.memory_space<semaphore_mem>>) src(%dma_wait3A_111 : memref<2x128xi32, #tpu.memory_space<hbm>>) dst(%arg6 : memref<2x128xi32, #tpu.memory_space<vmem>>)
        %dma_start3A_112 = arith.constant 0 : i32
        %dma_start3A_113 = arith.constant 0 : i32
        %dma_start3A_114 = tpu.memref_slice %arg6[%dma_start3A_112, %dma_start3A_113] : memref<2x128xi32, #tpu.memory_space<vmem>> -> memref<1x128xi32, #tpu.memory_space<vmem>>
        %dma_start3A_115 = tpu.memref_squeeze %dma_start3A_114 : memref<1x128xi32, #tpu.memory_space<vmem>> -> memref<128xi32, #tpu.memory_space<vmem>>
        %dma_start3A_116 = arith.constant 0 : i32
        %dma_start3A_117 = arith.constant 0 : i32
        %dma_start3A_118 = tpu.memref_slice %arg2[%dma_start3A_116, %dma_start3A_117] : memref<10240x128xf32, #tpu.memory_space<hbm>> -> memref<10240x128xf32, #tpu.memory_space<hbm>>
        tpu.enqueue_indirect_dma source(%dma_start3A_118 : memref<10240x128xf32, #tpu.memory_space<hbm>>) target(%arg8 : memref<128x128xf32, #tpu.memory_space<vmem>>) offsets(%dma_start3A_115 : memref<128xi32, #tpu.memory_space<vmem>>) semaphore(%arg13 : memref<!tpu.dma_semaphore, #tpu.memory_space<semaphore_mem>>)
      } else {
      }
      %dma_wait3A_78 = arith.constant 0 : i32
      %dma_wait3A_79 = arith.constant 0 : i32
      %dma_wait3A_80 = tpu.memref_slice %arg7[%dma_wait3A_78, %dma_wait3A_79] : memref<2x128xi32, #tpu.memory_space<vmem>> -> memref<1x128xi32, #tpu.memory_space<vmem>>
      %dma_wait3A_81 = tpu.memref_squeeze %dma_wait3A_80 : memref<1x128xi32, #tpu.memory_space<vmem>> -> memref<128xi32, #tpu.memory_space<vmem>>
      %dma_wait3A_82 = arith.constant 0 : i32
      %dma_wait3A_83 = arith.constant 0 : i32
      %dma_wait3A_84 = tpu.memref_slice %arg2[%dma_wait3A_82, %dma_wait3A_83] : memref<10240x128xf32, #tpu.memory_space<hbm>> -> memref<10240x128xf32, #tpu.memory_space<hbm>>
      tpu.wait_indirect_dma semaphore(%arg14 : memref<!tpu.dma_semaphore, #tpu.memory_space<semaphore_mem>>) src(%dma_wait3A_84 : memref<10240x128xf32, #tpu.memory_space<hbm>>) dst(%arg9 : memref<128x128xf32, #tpu.memory_space<vmem>>)
      %run_scoped3A_85 = arith.constant 1 : i32
      "tpu.region"() ({
        %run_scoped3A_92 = tpu.sem_alloc : memref<!tpu.dma_semaphore, #tpu.memory_space<semaphore_mem>>
        %dma_start3A_93 = arith.constant 0 : i32
        %dma_start3A_94 = tpu.memref_slice %arg7[%run_scoped3A_85, %dma_start3A_93] : memref<2x128xi32, #tpu.memory_space<vmem>> -> memref<1x128xi32, #tpu.memory_space<vmem>>
        %dma_start3A_95 = tpu.memref_squeeze %dma_start3A_94 : memref<1x128xi32, #tpu.memory_space<vmem>> -> memref<128xi32, #tpu.memory_space<vmem>>
        %dma_start3A_96 = arith.constant 0 : i32
        %dma_start3A_97 = arith.constant 0 : i32
        %dma_start3A_98 = tpu.memref_slice %arg10[%dma_start3A_96, %dma_start3A_97] : memref<10240x128xf32, #tpu.memory_space<vmem_shared>> -> memref<10240x128xf32, #tpu.memory_space<vmem_shared>>
        tpu.enqueue_indirect_dma source(%arg9 : memref<128x128xf32, #tpu.memory_space<vmem>>) target(%dma_start3A_98 : memref<10240x128xf32, #tpu.memory_space<vmem_shared>>) offsets(%dma_start3A_95 : memref<128xi32, #tpu.memory_space<vmem>>) semaphore(%run_scoped3A_92 : memref<!tpu.dma_semaphore, #tpu.memory_space<semaphore_mem>>) {add = true}
        %dma_wait3A_99 = arith.constant 0 : i32
        %dma_wait3A_100 = tpu.memref_slice %arg7[%run_scoped3A_85, %dma_wait3A_99] : memref<2x128xi32, #tpu.memory_space<vmem>> -> memref<1x128xi32, #tpu.memory_space<vmem>>
        %dma_wait3A_101 = tpu.memref_squeeze %dma_wait3A_100 : memref<1x128xi32, #tpu.memory_space<vmem>> -> memref<128xi32, #tpu.memory_space<vmem>>
        %dma_wait3A_102 = arith.constant 0 : i32
        %dma_wait3A_103 = arith.constant 0 : i32
        %dma_wait3A_104 = tpu.memref_slice %arg10[%dma_wait3A_102, %dma_wait3A_103] : memref<10240x128xf32, #tpu.memory_space<vmem_shared>> -> memref<10240x128xf32, #tpu.memory_space<vmem_shared>>
        tpu.wait_indirect_dma semaphore(%run_scoped3A_92 : memref<!tpu.dma_semaphore, #tpu.memory_space<semaphore_mem>>) src(%arg9 : memref<128x128xf32, #tpu.memory_space<vmem>>) dst(%dma_wait3A_104 : memref<10240x128xf32, #tpu.memory_space<vmem_shared>>)
        tpu.yield
      }) : () -> ()
      %lt3A_86 = arith.constant 39 : i32
      %lt3A_87 = arith.cmpi slt, %scan3A_47, %lt3A_86 : i32
      %convert_element_type3A_88 = arith.extui %lt3A_87 : i1 to i32
      %cond3A_89 = arith.constant 0 : i32
      %cond3A_90 = arith.cmpi ne, %convert_element_type3A_88, %cond3A_89 : i32
      scf.if %cond3A_90 {
        %add3A_92 = arith.constant 3 : i32
        %add3A_93 = arith.addi %add3A_51, %add3A_92 : i32
        %dma_start3A_94 = arith.constant 0 : i32
        %dma_start3A_95 = arith.constant 0 : i32
        %dma_start3A_96 = tpu.memref_slice %arg3[%add3A_93, %dma_start3A_94, %dma_start3A_95] : memref<2560x2x128xi32, #tpu.memory_space<hbm>> -> memref<1x2x128xi32, #tpu.memory_space<hbm>>
        %dma_start3A_97 = tpu.memref_squeeze %dma_start3A_96 : memref<1x2x128xi32, #tpu.memory_space<hbm>> -> memref<2x128xi32, #tpu.memory_space<hbm>>
        %dma_start3A_98 = arith.constant 0 : i32
        %dma_start3A_99 = arith.constant 0 : i32
        %dma_start3A_100 = tpu.memref_slice %arg3[%add3A_93, %dma_start3A_98, %dma_start3A_99] : memref<2560x2x128xi32, #tpu.memory_space<hbm>> -> memref<1x2x128xi32, #tpu.memory_space<hbm>>
        %dma_start3A_101 = tpu.memref_squeeze %dma_start3A_100 : memref<1x2x128xi32, #tpu.memory_space<hbm>> -> memref<2x128xi32, #tpu.memory_space<hbm>>
        tpu.enqueue_dma source(%dma_start3A_101 : memref<2x128xi32, #tpu.memory_space<hbm>>) target(%arg7 : memref<2x128xi32, #tpu.memory_space<vmem>>) target_semaphore(%arg12 : memref<!tpu.dma_semaphore, #tpu.memory_space<semaphore_mem>>)
      } else {
      }
      %scan3A_91 = arith.constant 0 : i32
      scf.yield %scan3A_91 : i32
    }
    %scan3A_41 = arith.constant 40 : i32
    %barrier3A_42 = arith.constant 0 : index
    tpu.barrier barrier_id(%barrier3A_42)
    %mul3A_43 = arith.constant 640 : i32
    %mul3A_44 = arith.muli %arg1, %mul3A_43 : i32
    %mul3A_45 = arith.constant 640 : i32
    %mul3A_46 = arith.muli %arg1, %mul3A_45 : i32
    "tpu.region"() ({
      %run_scoped3A = tpu.sem_alloc : memref<!tpu.dma_semaphore, #tpu.memory_space<semaphore_mem>>
      %dma_start3A_47 = arith.constant 0 : i32
      %dma_start3A_48 = tpu.memref_slice %arg5[%arg0, %mul3A_46, %dma_start3A_47] : memref<2x10240x128xf32, #tpu.memory_space<hbm>> -> memref<1x640x128xf32, #tpu.memory_space<hbm>>
      %dma_start3A_49 = tpu.memref_squeeze %dma_start3A_48 : memref<1x640x128xf32, #tpu.memory_space<hbm>> -> memref<640x128xf32, #tpu.memory_space<hbm>>
      %dma_start3A_50 = arith.constant 0 : i32
      %dma_start3A_51 = tpu.memref_slice %arg10[%mul3A_44, %dma_start3A_50] : memref<10240x128xf32, #tpu.memory_space<vmem_shared>> -> memref<640x128xf32, #tpu.memory_space<vmem_shared>>
      tpu.enqueue_dma source(%dma_start3A_51 : memref<640x128xf32, #tpu.memory_space<vmem_shared>>) target(%dma_start3A_49 : memref<640x128xf32, #tpu.memory_space<hbm>>) target_semaphore(%run_scoped3A : memref<!tpu.dma_semaphore, #tpu.memory_space<semaphore_mem>>)
      %dma_wait3A_52 = arith.constant 0 : i32
      %dma_wait3A_53 = tpu.memref_slice %arg5[%arg0, %mul3A_46, %dma_wait3A_52] : memref<2x10240x128xf32, #tpu.memory_space<hbm>> -> memref<1x640x128xf32, #tpu.memory_space<hbm>>
      %dma_wait3A_54 = tpu.memref_squeeze %dma_wait3A_53 : memref<1x640x128xf32, #tpu.memory_space<hbm>> -> memref<640x128xf32, #tpu.memory_space<hbm>>
      %dma_wait3A_55 = arith.constant 0 : i32
      %dma_wait3A_56 = tpu.memref_slice %arg10[%mul3A_44, %dma_wait3A_55] : memref<10240x128xf32, #tpu.memory_space<vmem_shared>> -> memref<640x128xf32, #tpu.memory_space<vmem_shared>>
      tpu.wait_dma2 semaphore(%run_scoped3A : memref<!tpu.dma_semaphore, #tpu.memory_space<semaphore_mem>>) src(%dma_wait3A_56 : memref<640x128xf32, #tpu.memory_space<vmem_shared>>) dst(%dma_wait3A_54 : memref<640x128xf32, #tpu.memory_space<hbm>>)
      tpu.yield
    }) : () -> ()
    return
  }
}

#map = affine_map<(d0, d1) -> (0, 0)>
#map1 = affine_map<(d0, d1) -> (0, 0, 0)>
module attributes {stable_mosaic.version = 14 : i64} {
  func.func @k(%arg0: i32, %arg1: i32, %arg2: memref<10240x128xf32, #tpu.memory_space<hbm>>, %arg3: memref<2560x2x128xi32, #tpu.memory_space<hbm>>, %arg4: memref<640x128xf32, #tpu.memory_space<hbm>>, %arg5: memref<2x10240x128xf32, #tpu.memory_space<hbm>>, %arg6: memref<2x128xi32, #tpu.memory_space<vmem>>, %arg7: memref<2x128xi32, #tpu.memory_space<vmem>>, %arg8: memref<128x128xf32, #tpu.memory_space<vmem>>, %arg9: memref<128x128xf32, #tpu.memory_space<vmem>>, %arg10: memref<10240x128xf32, #tpu.memory_space<vmem_shared>>, %arg11: memref<!tpu.dma_semaphore, #tpu.memory_space<semaphore_mem>>, %arg12: memref<!tpu.dma_semaphore, #tpu.memory_space<semaphore_mem>>, %arg13: memref<!tpu.dma_semaphore, #tpu.memory_space<semaphore_mem>>, %arg14: memref<!tpu.dma_semaphore, #tpu.memory_space<semaphore_mem>>) attributes {dimension_semantics = [#tpu.dimension_semantics<core_parallel>, #tpu.dimension_semantics<subcore_parallel>], iteration_bounds = array<i64: 2, 16>, scalar_prefetch = 0 : i64, scratch_operands = 9 : i64, tpu.core_type = #tpu.core_type<sc_vector_subcore>, window_params = [{transform_indices = #map}, {transform_indices = #map1}, {transform_indices = #map}, {transform_indices = #map1}]} {
    %mul3A = arith.constant 16 : i32
    %mul3A_0 = arith.muli %arg0, %mul3A : i32
    %add3A = arith.addi %mul3A_0, %arg1 : i32
    %mul3A_1 = arith.constant 80 : i32
    %mul3A_2 = arith.muli %add3A, %mul3A_1 : i32
    %mul3A_3 = arith.constant 640 : i32
    %mul3A_4 = arith.muli %arg1, %mul3A_3 : i32
    "tpu.region"() ({
      %run_scoped3A = tpu.sem_alloc : memref<!tpu.dma_semaphore, #tpu.memory_space<semaphore_mem>>
      %dma_start3A_47 = arith.constant 0 : i32
      %dma_start3A_48 = tpu.memref_slice %arg10[%mul3A_4, %dma_start3A_47] : memref<10240x128xf32, #tpu.memory_space<vmem_shared>> -> memref<640x128xf32, #tpu.memory_space<vmem_shared>>
      tpu.enqueue_dma source(%arg4 : memref<640x128xf32, #tpu.memory_space<hbm>>) target(%dma_start3A_48 : memref<640x128xf32, #tpu.memory_space<vmem_shared>>) target_semaphore(%run_scoped3A : memref<!tpu.dma_semaphore, #tpu.memory_space<semaphore_mem>>)
      %dma_wait3A_49 = arith.constant 0 : i32
      %dma_wait3A_50 = tpu.memref_slice %arg10[%mul3A_4, %dma_wait3A_49] : memref<10240x128xf32, #tpu.memory_space<vmem_shared>> -> memref<640x128xf32, #tpu.memory_space<vmem_shared>>
      tpu.wait_dma2 semaphore(%run_scoped3A : memref<!tpu.dma_semaphore, #tpu.memory_space<semaphore_mem>>) src(%arg4 : memref<640x128xf32, #tpu.memory_space<hbm>>) dst(%dma_wait3A_50 : memref<640x128xf32, #tpu.memory_space<vmem_shared>>)
      tpu.yield
    }) : () -> ()
    %dma_start3A = arith.constant 0 : i32
    %dma_start3A_5 = arith.constant 0 : i32
    %dma_start3A_6 = tpu.memref_slice %arg3[%mul3A_2, %dma_start3A, %dma_start3A_5] : memref<2560x2x128xi32, #tpu.memory_space<hbm>> -> memref<1x2x128xi32, #tpu.memory_space<hbm>>
    %dma_start3A_7 = tpu.memref_squeeze %dma_start3A_6 : memref<1x2x128xi32, #tpu.memory_space<hbm>> -> memref<2x128xi32, #tpu.memory_space<hbm>>
    %dma_start3A_8 = arith.constant 0 : i32
    %dma_start3A_9 = arith.constant 0 : i32
    %dma_start3A_10 = tpu.memref_slice %arg3[%mul3A_2, %dma_start3A_8, %dma_start3A_9] : memref<2560x2x128xi32, #tpu.memory_space<hbm>> -> memref<1x2x128xi32, #tpu.memory_space<hbm>>
    %dma_start3A_11 = tpu.memref_squeeze %dma_start3A_10 : memref<1x2x128xi32, #tpu.memory_space<hbm>> -> memref<2x128xi32, #tpu.memory_space<hbm>>
    tpu.enqueue_dma source(%dma_start3A_11 : memref<2x128xi32, #tpu.memory_space<hbm>>) target(%arg6 : memref<2x128xi32, #tpu.memory_space<vmem>>) target_semaphore(%arg11 : memref<!tpu.dma_semaphore, #tpu.memory_space<semaphore_mem>>)
    %add3A_12 = arith.constant 1 : i32
    %add3A_13 = arith.addi %mul3A_2, %add3A_12 : i32
    %dma_start3A_14 = arith.constant 0 : i32
    %dma_start3A_15 = arith.constant 0 : i32
    %dma_start3A_16 = tpu.memref_slice %arg3[%add3A_13, %dma_start3A_14, %dma_start3A_15] : memref<2560x2x128xi32, #tpu.memory_space<hbm>> -> memref<1x2x128xi32, #tpu.memory_space<hbm>>
    %dma_start3A_17 = tpu.memref_squeeze %dma_start3A_16 : memref<1x2x128xi32, #tpu.memory_space<hbm>> -> memref<2x128xi32, #tpu.memory_space<hbm>>
    %dma_start3A_18 = arith.constant 0 : i32
    %dma_start3A_19 = arith.constant 0 : i32
    %dma_start3A_20 = tpu.memref_slice %arg3[%add3A_13, %dma_start3A_18, %dma_start3A_19] : memref<2560x2x128xi32, #tpu.memory_space<hbm>> -> memref<1x2x128xi32, #tpu.memory_space<hbm>>
    %dma_start3A_21 = tpu.memref_squeeze %dma_start3A_20 : memref<1x2x128xi32, #tpu.memory_space<hbm>> -> memref<2x128xi32, #tpu.memory_space<hbm>>
    tpu.enqueue_dma source(%dma_start3A_21 : memref<2x128xi32, #tpu.memory_space<hbm>>) target(%arg7 : memref<2x128xi32, #tpu.memory_space<vmem>>) target_semaphore(%arg12 : memref<!tpu.dma_semaphore, #tpu.memory_space<semaphore_mem>>)
    %barrier3A = arith.constant 0 : index
    tpu.barrier barrier_id(%barrier3A)
    %dma_wait3A = arith.constant 0 : i32
    %dma_wait3A_22 = arith.constant 0 : i32
    %dma_wait3A_23 = tpu.memref_slice %arg3[%mul3A_2, %dma_wait3A, %dma_wait3A_22] : memref<2560x2x128xi32, #tpu.memory_space<hbm>> -> memref<1x2x128xi32, #tpu.memory_space<hbm>>
    %dma_wait3A_24 = tpu.memref_squeeze %dma_wait3A_23 : memref<1x2x128xi32, #tpu.memory_space<hbm>> -> memref<2x128xi32, #tpu.memory_space<hbm>>
    %dma_wait3A_25 = arith.constant 0 : i32
    %dma_wait3A_26 = arith.constant 0 : i32
    %dma_wait3A_27 = tpu.memref_slice %arg3[%mul3A_2, %dma_wait3A_25, %dma_wait3A_26] : memref<2560x2x128xi32, #tpu.memory_space<hbm>> -> memref<1x2x128xi32, #tpu.memory_space<hbm>>
    %dma_wait3A_28 = tpu.memref_squeeze %dma_wait3A_27 : memref<1x2x128xi32, #tpu.memory_space<hbm>> -> memref<2x128xi32, #tpu.memory_space<hbm>>
    tpu.wait_dma2 semaphore(%arg11 : memref<!tpu.dma_semaphore, #tpu.memory_space<semaphore_mem>>) src(%dma_wait3A_28 : memref<2x128xi32, #tpu.memory_space<hbm>>) dst(%arg6 : memref<2x128xi32, #tpu.memory_space<vmem>>)
    %dma_start3A_29 = arith.constant 0 : i32
    %dma_start3A_30 = arith.constant 0 : i32
    %dma_start3A_31 = tpu.memref_slice %arg6[%dma_start3A_29, %dma_start3A_30] : memref<2x128xi32, #tpu.memory_space<vmem>> -> memref<1x128xi32, #tpu.memory_space<vmem>>
    %dma_start3A_32 = tpu.memref_squeeze %dma_start3A_31 : memref<1x128xi32, #tpu.memory_space<vmem>> -> memref<128xi32, #tpu.memory_space<vmem>>
    %dma_start3A_33 = arith.constant 0 : i32
    %dma_start3A_34 = arith.constant 0 : i32
    %dma_start3A_35 = tpu.memref_slice %arg2[%dma_start3A_33, %dma_start3A_34] : memref<10240x128xf32, #tpu.memory_space<hbm>> -> memref<10240x128xf32, #tpu.memory_space<hbm>>
    tpu.enqueue_indirect_dma source(%dma_start3A_35 : memref<10240x128xf32, #tpu.memory_space<hbm>>) target(%arg8 : memref<128x128xf32, #tpu.memory_space<vmem>>) offsets(%dma_start3A_32 : memref<128xi32, #tpu.memory_space<vmem>>) semaphore(%arg13 : memref<!tpu.dma_semaphore, #tpu.memory_space<semaphore_mem>>)
    %scan3A = arith.constant 0 : i32
    %scan3A_36 = arith.constant 0 : i32
    %scan3A_37 = arith.constant 40 : i32
    %scan3A_38 = arith.addi %scan3A_36, %scan3A_37 : i32
    %scan3A_39 = arith.constant 1 : i32
    %scan3A_40 = scf.for %scan3A_47 = %scan3A_36 to %scan3A_38 step %scan3A_39 iter_args(%scan3A_48 = %scan3A) -> (i32)  : i32 {
      %mul3A_49 = arith.constant 2 : i32
      %mul3A_50 = arith.muli %mul3A_49, %scan3A_47 : i32
      %add3A_51 = arith.addi %mul3A_2, %mul3A_50 : i32
      %add3A_52 = arith.constant 1 : i32
      %add3A_53 = arith.addi %add3A_51, %add3A_52 : i32
      %dma_wait3A_54 = arith.constant 0 : i32
      %dma_wait3A_55 = arith.constant 0 : i32
      %dma_wait3A_56 = tpu.memref_slice %arg3[%add3A_53, %dma_wait3A_54, %dma_wait3A_55] : memref<2560x2x128xi32, #tpu.memory_space<hbm>> -> memref<1x2x128xi32, #tpu.memory_space<hbm>>
      %dma_wait3A_57 = tpu.memref_squeeze %dma_wait3A_56 : memref<1x2x128xi32, #tpu.memory_space<hbm>> -> memref<2x128xi32, #tpu.memory_space<hbm>>
      %dma_wait3A_58 = arith.constant 0 : i32
      %dma_wait3A_59 = arith.constant 0 : i32
      %dma_wait3A_60 = tpu.memref_slice %arg3[%add3A_53, %dma_wait3A_58, %dma_wait3A_59] : memref<2560x2x128xi32, #tpu.memory_space<hbm>> -> memref<1x2x128xi32, #tpu.memory_space<hbm>>
      %dma_wait3A_61 = tpu.memref_squeeze %dma_wait3A_60 : memref<1x2x128xi32, #tpu.memory_space<hbm>> -> memref<2x128xi32, #tpu.memory_space<hbm>>
      tpu.wait_dma2 semaphore(%arg12 : memref<!tpu.dma_semaphore, #tpu.memory_space<semaphore_mem>>) src(%dma_wait3A_61 : memref<2x128xi32, #tpu.memory_space<hbm>>) dst(%arg7 : memref<2x128xi32, #tpu.memory_space<vmem>>)
      %dma_start3A_62 = arith.constant 0 : i32
      %dma_start3A_63 = arith.constant 0 : i32
      %dma_start3A_64 = tpu.memref_slice %arg7[%dma_start3A_62, %dma_start3A_63] : memref<2x128xi32, #tpu.memory_space<vmem>> -> memref<1x128xi32, #tpu.memory_space<vmem>>
      %dma_start3A_65 = tpu.memref_squeeze %dma_start3A_64 : memref<1x128xi32, #tpu.memory_space<vmem>> -> memref<128xi32, #tpu.memory_space<vmem>>
      %dma_start3A_66 = arith.constant 0 : i32
      %dma_start3A_67 = arith.constant 0 : i32
      %dma_start3A_68 = tpu.memref_slice %arg2[%dma_start3A_66, %dma_start3A_67] : memref<10240x128xf32, #tpu.memory_space<hbm>> -> memref<10240x128xf32, #tpu.memory_space<hbm>>
      tpu.enqueue_indirect_dma source(%dma_start3A_68 : memref<10240x128xf32, #tpu.memory_space<hbm>>) target(%arg9 : memref<128x128xf32, #tpu.memory_space<vmem>>) offsets(%dma_start3A_65 : memref<128xi32, #tpu.memory_space<vmem>>) semaphore(%arg14 : memref<!tpu.dma_semaphore, #tpu.memory_space<semaphore_mem>>)
      %dma_wait3A_69 = arith.constant 0 : i32
      %dma_wait3A_70 = arith.constant 0 : i32
      %dma_wait3A_71 = tpu.memref_slice %arg6[%dma_wait3A_69, %dma_wait3A_70] : memref<2x128xi32, #tpu.memory_space<vmem>> -> memref<1x128xi32, #tpu.memory_space<vmem>>
      %dma_wait3A_72 = tpu.memref_squeeze %dma_wait3A_71 : memref<1x128xi32, #tpu.memory_space<vmem>> -> memref<128xi32, #tpu.memory_space<vmem>>
      %dma_wait3A_73 = arith.constant 0 : i32
      %dma_wait3A_74 = arith.constant 0 : i32
      %dma_wait3A_75 = tpu.memref_slice %arg2[%dma_wait3A_73, %dma_wait3A_74] : memref<10240x128xf32, #tpu.memory_space<hbm>> -> memref<10240x128xf32, #tpu.memory_space<hbm>>
      tpu.wait_indirect_dma semaphore(%arg13 : memref<!tpu.dma_semaphore, #tpu.memory_space<semaphore_mem>>) src(%dma_wait3A_75 : memref<10240x128xf32, #tpu.memory_space<hbm>>) dst(%arg8 : memref<128x128xf32, #tpu.memory_space<vmem>>)
      %lt3A = arith.constant 39 : i32
      %lt3A_76 = arith.cmpi slt, %scan3A_47, %lt3A : i32
      %convert_element_type3A = arith.extui %lt3A_76 : i1 to i32
      %cond3A = arith.constant 0 : i32
      %cond3A_77 = arith.cmpi ne, %convert_element_type3A, %cond3A : i32
      scf.if %cond3A_77 {
        %add3A_91 = arith.constant 2 : i32
        %add3A_92 = arith.addi %add3A_51, %add3A_91 : i32
        %dma_start3A_93 = arith.constant 0 : i32
        %dma_start3A_94 = arith.constant 0 : i32
        %dma_start3A_95 = tpu.memref_slice %arg3[%add3A_92, %dma_start3A_93, %dma_start3A_94] : memref<2560x2x128xi32, #tpu.memory_space<hbm>> -> memref<1x2x128xi32, #tpu.memory_space<hbm>>
        %dma_start3A_96 = tpu.memref_squeeze %dma_start3A_95 : memref<1x2x128xi32, #tpu.memory_space<hbm>> -> memref<2x128xi32, #tpu.memory_space<hbm>>
        %dma_start3A_97 = arith.constant 0 : i32
        %dma_start3A_98 = arith.constant 0 : i32
        %dma_start3A_99 = tpu.memref_slice %arg3[%add3A_92, %dma_start3A_97, %dma_start3A_98] : memref<2560x2x128xi32, #tpu.memory_space<hbm>> -> memref<1x2x128xi32, #tpu.memory_space<hbm>>
        %dma_start3A_100 = tpu.memref_squeeze %dma_start3A_99 : memref<1x2x128xi32, #tpu.memory_space<hbm>> -> memref<2x128xi32, #tpu.memory_space<hbm>>
        tpu.enqueue_dma source(%dma_start3A_100 : memref<2x128xi32, #tpu.memory_space<hbm>>) target(%arg6 : memref<2x128xi32, #tpu.memory_space<vmem>>) target_semaphore(%arg11 : memref<!tpu.dma_semaphore, #tpu.memory_space<semaphore_mem>>)
        %add3A_101 = arith.constant 2 : i32
        %add3A_102 = arith.addi %add3A_51, %add3A_101 : i32
        %dma_wait3A_103 = arith.constant 0 : i32
        %dma_wait3A_104 = arith.constant 0 : i32
        %dma_wait3A_105 = tpu.memref_slice %arg3[%add3A_102, %dma_wait3A_103, %dma_wait3A_104] : memref<2560x2x128xi32, #tpu.memory_space<hbm>> -> memref<1x2x128xi32, #tpu.memory_space<hbm>>
        %dma_wait3A_106 = tpu.memref_squeeze %dma_wait3A_105 : memref<1x2x128xi32, #tpu.memory_space<hbm>> -> memref<2x128xi32, #tpu.memory_space<hbm>>
        %dma_wait3A_107 = arith.constant 0 : i32
        %dma_wait3A_108 = arith.constant 0 : i32
        %dma_wait3A_109 = tpu.memref_slice %arg3[%add3A_102, %dma_wait3A_107, %dma_wait3A_108] : memref<2560x2x128xi32, #tpu.memory_space<hbm>> -> memref<1x2x128xi32, #tpu.memory_space<hbm>>
        %dma_wait3A_110 = tpu.memref_squeeze %dma_wait3A_109 : memref<1x2x128xi32, #tpu.memory_space<hbm>> -> memref<2x128xi32, #tpu.memory_space<hbm>>
        tpu.wait_dma2 semaphore(%arg11 : memref<!tpu.dma_semaphore, #tpu.memory_space<semaphore_mem>>) src(%dma_wait3A_110 : memref<2x128xi32, #tpu.memory_space<hbm>>) dst(%arg6 : memref<2x128xi32, #tpu.memory_space<vmem>>)
        %dma_start3A_111 = arith.constant 0 : i32
        %dma_start3A_112 = arith.constant 0 : i32
        %dma_start3A_113 = tpu.memref_slice %arg6[%dma_start3A_111, %dma_start3A_112] : memref<2x128xi32, #tpu.memory_space<vmem>> -> memref<1x128xi32, #tpu.memory_space<vmem>>
        %dma_start3A_114 = tpu.memref_squeeze %dma_start3A_113 : memref<1x128xi32, #tpu.memory_space<vmem>> -> memref<128xi32, #tpu.memory_space<vmem>>
        %dma_start3A_115 = arith.constant 0 : i32
        %dma_start3A_116 = arith.constant 0 : i32
        %dma_start3A_117 = tpu.memref_slice %arg2[%dma_start3A_115, %dma_start3A_116] : memref<10240x128xf32, #tpu.memory_space<hbm>> -> memref<10240x128xf32, #tpu.memory_space<hbm>>
        tpu.enqueue_indirect_dma source(%dma_start3A_117 : memref<10240x128xf32, #tpu.memory_space<hbm>>) target(%arg8 : memref<128x128xf32, #tpu.memory_space<vmem>>) offsets(%dma_start3A_114 : memref<128xi32, #tpu.memory_space<vmem>>) semaphore(%arg13 : memref<!tpu.dma_semaphore, #tpu.memory_space<semaphore_mem>>)
      } else {
      }
      %dma_wait3A_78 = arith.constant 0 : i32
      %dma_wait3A_79 = arith.constant 0 : i32
      %dma_wait3A_80 = tpu.memref_slice %arg7[%dma_wait3A_78, %dma_wait3A_79] : memref<2x128xi32, #tpu.memory_space<vmem>> -> memref<1x128xi32, #tpu.memory_space<vmem>>
      %dma_wait3A_81 = tpu.memref_squeeze %dma_wait3A_80 : memref<1x128xi32, #tpu.memory_space<vmem>> -> memref<128xi32, #tpu.memory_space<vmem>>
      %dma_wait3A_82 = arith.constant 0 : i32
      %dma_wait3A_83 = arith.constant 0 : i32
      %dma_wait3A_84 = tpu.memref_slice %arg2[%dma_wait3A_82, %dma_wait3A_83] : memref<10240x128xf32, #tpu.memory_space<hbm>> -> memref<10240x128xf32, #tpu.memory_space<hbm>>
      tpu.wait_indirect_dma semaphore(%arg14 : memref<!tpu.dma_semaphore, #tpu.memory_space<semaphore_mem>>) src(%dma_wait3A_84 : memref<10240x128xf32, #tpu.memory_space<hbm>>) dst(%arg9 : memref<128x128xf32, #tpu.memory_space<vmem>>)
      %lt3A_85 = arith.constant 39 : i32
      %lt3A_86 = arith.cmpi slt, %scan3A_47, %lt3A_85 : i32
      %convert_element_type3A_87 = arith.extui %lt3A_86 : i1 to i32
      %cond3A_88 = arith.constant 0 : i32
      %cond3A_89 = arith.cmpi ne, %convert_element_type3A_87, %cond3A_88 : i32
      scf.if %cond3A_89 {
        %add3A_91 = arith.constant 3 : i32
        %add3A_92 = arith.addi %add3A_51, %add3A_91 : i32
        %dma_start3A_93 = arith.constant 0 : i32
        %dma_start3A_94 = arith.constant 0 : i32
        %dma_start3A_95 = tpu.memref_slice %arg3[%add3A_92, %dma_start3A_93, %dma_start3A_94] : memref<2560x2x128xi32, #tpu.memory_space<hbm>> -> memref<1x2x128xi32, #tpu.memory_space<hbm>>
        %dma_start3A_96 = tpu.memref_squeeze %dma_start3A_95 : memref<1x2x128xi32, #tpu.memory_space<hbm>> -> memref<2x128xi32, #tpu.memory_space<hbm>>
        %dma_start3A_97 = arith.constant 0 : i32
        %dma_start3A_98 = arith.constant 0 : i32
        %dma_start3A_99 = tpu.memref_slice %arg3[%add3A_92, %dma_start3A_97, %dma_start3A_98] : memref<2560x2x128xi32, #tpu.memory_space<hbm>> -> memref<1x2x128xi32, #tpu.memory_space<hbm>>
        %dma_start3A_100 = tpu.memref_squeeze %dma_start3A_99 : memref<1x2x128xi32, #tpu.memory_space<hbm>> -> memref<2x128xi32, #tpu.memory_space<hbm>>
        tpu.enqueue_dma source(%dma_start3A_100 : memref<2x128xi32, #tpu.memory_space<hbm>>) target(%arg7 : memref<2x128xi32, #tpu.memory_space<vmem>>) target_semaphore(%arg12 : memref<!tpu.dma_semaphore, #tpu.memory_space<semaphore_mem>>)
      } else {
      }
      %scan3A_90 = arith.constant 0 : i32
      scf.yield %scan3A_90 : i32
    }
    %scan3A_41 = arith.constant 40 : i32
    %barrier3A_42 = arith.constant 0 : index
    tpu.barrier barrier_id(%barrier3A_42)
    %mul3A_43 = arith.constant 640 : i32
    %mul3A_44 = arith.muli %arg1, %mul3A_43 : i32
    %mul3A_45 = arith.constant 640 : i32
    %mul3A_46 = arith.muli %arg1, %mul3A_45 : i32
    "tpu.region"() ({
      %run_scoped3A = tpu.sem_alloc : memref<!tpu.dma_semaphore, #tpu.memory_space<semaphore_mem>>
      %dma_start3A_47 = arith.constant 0 : i32
      %dma_start3A_48 = tpu.memref_slice %arg5[%arg0, %mul3A_46, %dma_start3A_47] : memref<2x10240x128xf32, #tpu.memory_space<hbm>> -> memref<1x640x128xf32, #tpu.memory_space<hbm>>
      %dma_start3A_49 = tpu.memref_squeeze %dma_start3A_48 : memref<1x640x128xf32, #tpu.memory_space<hbm>> -> memref<640x128xf32, #tpu.memory_space<hbm>>
      %dma_start3A_50 = arith.constant 0 : i32
      %dma_start3A_51 = tpu.memref_slice %arg10[%mul3A_44, %dma_start3A_50] : memref<10240x128xf32, #tpu.memory_space<vmem_shared>> -> memref<640x128xf32, #tpu.memory_space<vmem_shared>>
      tpu.enqueue_dma source(%dma_start3A_51 : memref<640x128xf32, #tpu.memory_space<vmem_shared>>) target(%dma_start3A_49 : memref<640x128xf32, #tpu.memory_space<hbm>>) target_semaphore(%run_scoped3A : memref<!tpu.dma_semaphore, #tpu.memory_space<semaphore_mem>>)
      %dma_wait3A_52 = arith.constant 0 : i32
      %dma_wait3A_53 = tpu.memref_slice %arg5[%arg0, %mul3A_46, %dma_wait3A_52] : memref<2x10240x128xf32, #tpu.memory_space<hbm>> -> memref<1x640x128xf32, #tpu.memory_space<hbm>>
      %dma_wait3A_54 = tpu.memref_squeeze %dma_wait3A_53 : memref<1x640x128xf32, #tpu.memory_space<hbm>> -> memref<640x128xf32, #tpu.memory_space<hbm>>
      %dma_wait3A_55 = arith.constant 0 : i32
      %dma_wait3A_56 = tpu.memref_slice %arg10[%mul3A_44, %dma_wait3A_55] : memref<10240x128xf32, #tpu.memory_space<vmem_shared>> -> memref<640x128xf32, #tpu.memory_space<vmem_shared>>
      tpu.wait_dma2 semaphore(%run_scoped3A : memref<!tpu.dma_semaphore, #tpu.memory_space<semaphore_mem>>) src(%dma_wait3A_56 : memref<640x128xf32, #tpu.memory_space<vmem_shared>>) dst(%dma_wait3A_54 : memref<640x128xf32, #tpu.memory_space<hbm>>)
      tpu.yield
    }) : () -> ()
    return
  }
}

#map = affine_map<(d0, d1) -> (0, 0)>
#map1 = affine_map<(d0, d1) -> (0, 0, 0)>
module attributes {stable_mosaic.version = 14 : i64} {
  func.func @k(%arg0: i32, %arg1: i32, %arg2: memref<10240x128xf32, #tpu.memory_space<hbm>>, %arg3: memref<2560x2x128xi32, #tpu.memory_space<hbm>>, %arg4: memref<640x128xf32, #tpu.memory_space<hbm>>, %arg5: memref<2x10240x128xf32, #tpu.memory_space<hbm>>, %arg6: memref<2x128xi32, #tpu.memory_space<vmem>>, %arg7: memref<2x128xi32, #tpu.memory_space<vmem>>, %arg8: memref<128x128xf32, #tpu.memory_space<vmem>>, %arg9: memref<128x128xf32, #tpu.memory_space<vmem>>, %arg10: memref<10240x128xf32, #tpu.memory_space<vmem_shared>>, %arg11: memref<!tpu.dma_semaphore, #tpu.memory_space<semaphore_mem>>, %arg12: memref<!tpu.dma_semaphore, #tpu.memory_space<semaphore_mem>>, %arg13: memref<!tpu.dma_semaphore, #tpu.memory_space<semaphore_mem>>, %arg14: memref<!tpu.dma_semaphore, #tpu.memory_space<semaphore_mem>>) attributes {dimension_semantics = [#tpu.dimension_semantics<core_parallel>, #tpu.dimension_semantics<subcore_parallel>], iteration_bounds = array<i64: 2, 16>, scalar_prefetch = 0 : i64, scratch_operands = 9 : i64, tpu.core_type = #tpu.core_type<sc_vector_subcore>, window_params = [{transform_indices = #map}, {transform_indices = #map1}, {transform_indices = #map}, {transform_indices = #map1}]} {
    %mul3A = arith.constant 16 : i32
    %mul3A_0 = arith.muli %arg0, %mul3A : i32
    %add3A = arith.addi %mul3A_0, %arg1 : i32
    %mul3A_1 = arith.constant 80 : i32
    %mul3A_2 = arith.muli %add3A, %mul3A_1 : i32
    %mul3A_3 = arith.constant 640 : i32
    %mul3A_4 = arith.muli %arg1, %mul3A_3 : i32
    "tpu.region"() ({
      %run_scoped3A = tpu.sem_alloc : memref<!tpu.dma_semaphore, #tpu.memory_space<semaphore_mem>>
      %dma_start3A_40 = arith.constant 0 : i32
      %dma_start3A_41 = tpu.memref_slice %arg10[%mul3A_4, %dma_start3A_40] : memref<10240x128xf32, #tpu.memory_space<vmem_shared>> -> memref<640x128xf32, #tpu.memory_space<vmem_shared>>
      tpu.enqueue_dma source(%arg4 : memref<640x128xf32, #tpu.memory_space<hbm>>) target(%dma_start3A_41 : memref<640x128xf32, #tpu.memory_space<vmem_shared>>) target_semaphore(%run_scoped3A : memref<!tpu.dma_semaphore, #tpu.memory_space<semaphore_mem>>)
      %dma_wait3A_42 = arith.constant 0 : i32
      %dma_wait3A_43 = tpu.memref_slice %arg10[%mul3A_4, %dma_wait3A_42] : memref<10240x128xf32, #tpu.memory_space<vmem_shared>> -> memref<640x128xf32, #tpu.memory_space<vmem_shared>>
      tpu.wait_dma2 semaphore(%run_scoped3A : memref<!tpu.dma_semaphore, #tpu.memory_space<semaphore_mem>>) src(%arg4 : memref<640x128xf32, #tpu.memory_space<hbm>>) dst(%dma_wait3A_43 : memref<640x128xf32, #tpu.memory_space<vmem_shared>>)
      tpu.yield
    }) : () -> ()
    %dma_start3A = arith.constant 0 : i32
    %dma_start3A_5 = arith.constant 0 : i32
    %dma_start3A_6 = tpu.memref_slice %arg3[%mul3A_2, %dma_start3A, %dma_start3A_5] : memref<2560x2x128xi32, #tpu.memory_space<hbm>> -> memref<1x2x128xi32, #tpu.memory_space<hbm>>
    %dma_start3A_7 = tpu.memref_squeeze %dma_start3A_6 : memref<1x2x128xi32, #tpu.memory_space<hbm>> -> memref<2x128xi32, #tpu.memory_space<hbm>>
    %dma_start3A_8 = arith.constant 0 : i32
    %dma_start3A_9 = arith.constant 0 : i32
    %dma_start3A_10 = tpu.memref_slice %arg3[%mul3A_2, %dma_start3A_8, %dma_start3A_9] : memref<2560x2x128xi32, #tpu.memory_space<hbm>> -> memref<1x2x128xi32, #tpu.memory_space<hbm>>
    %dma_start3A_11 = tpu.memref_squeeze %dma_start3A_10 : memref<1x2x128xi32, #tpu.memory_space<hbm>> -> memref<2x128xi32, #tpu.memory_space<hbm>>
    tpu.enqueue_dma source(%dma_start3A_11 : memref<2x128xi32, #tpu.memory_space<hbm>>) target(%arg6 : memref<2x128xi32, #tpu.memory_space<vmem>>) target_semaphore(%arg11 : memref<!tpu.dma_semaphore, #tpu.memory_space<semaphore_mem>>)
    %add3A_12 = arith.constant 1 : i32
    %add3A_13 = arith.addi %mul3A_2, %add3A_12 : i32
    %dma_start3A_14 = arith.constant 0 : i32
    %dma_start3A_15 = arith.constant 0 : i32
    %dma_start3A_16 = tpu.memref_slice %arg3[%add3A_13, %dma_start3A_14, %dma_start3A_15] : memref<2560x2x128xi32, #tpu.memory_space<hbm>> -> memref<1x2x128xi32, #tpu.memory_space<hbm>>
    %dma_start3A_17 = tpu.memref_squeeze %dma_start3A_16 : memref<1x2x128xi32, #tpu.memory_space<hbm>> -> memref<2x128xi32, #tpu.memory_space<hbm>>
    %dma_start3A_18 = arith.constant 0 : i32
    %dma_start3A_19 = arith.constant 0 : i32
    %dma_start3A_20 = tpu.memref_slice %arg3[%add3A_13, %dma_start3A_18, %dma_start3A_19] : memref<2560x2x128xi32, #tpu.memory_space<hbm>> -> memref<1x2x128xi32, #tpu.memory_space<hbm>>
    %dma_start3A_21 = tpu.memref_squeeze %dma_start3A_20 : memref<1x2x128xi32, #tpu.memory_space<hbm>> -> memref<2x128xi32, #tpu.memory_space<hbm>>
    tpu.enqueue_dma source(%dma_start3A_21 : memref<2x128xi32, #tpu.memory_space<hbm>>) target(%arg7 : memref<2x128xi32, #tpu.memory_space<vmem>>) target_semaphore(%arg12 : memref<!tpu.dma_semaphore, #tpu.memory_space<semaphore_mem>>)
    %barrier3A = arith.constant 0 : index
    tpu.barrier barrier_id(%barrier3A)
    %dma_wait3A = arith.constant 0 : i32
    %dma_wait3A_22 = arith.constant 0 : i32
    %dma_wait3A_23 = tpu.memref_slice %arg3[%mul3A_2, %dma_wait3A, %dma_wait3A_22] : memref<2560x2x128xi32, #tpu.memory_space<hbm>> -> memref<1x2x128xi32, #tpu.memory_space<hbm>>
    %dma_wait3A_24 = tpu.memref_squeeze %dma_wait3A_23 : memref<1x2x128xi32, #tpu.memory_space<hbm>> -> memref<2x128xi32, #tpu.memory_space<hbm>>
    %dma_wait3A_25 = arith.constant 0 : i32
    %dma_wait3A_26 = arith.constant 0 : i32
    %dma_wait3A_27 = tpu.memref_slice %arg3[%mul3A_2, %dma_wait3A_25, %dma_wait3A_26] : memref<2560x2x128xi32, #tpu.memory_space<hbm>> -> memref<1x2x128xi32, #tpu.memory_space<hbm>>
    %dma_wait3A_28 = tpu.memref_squeeze %dma_wait3A_27 : memref<1x2x128xi32, #tpu.memory_space<hbm>> -> memref<2x128xi32, #tpu.memory_space<hbm>>
    tpu.wait_dma2 semaphore(%arg11 : memref<!tpu.dma_semaphore, #tpu.memory_space<semaphore_mem>>) src(%dma_wait3A_28 : memref<2x128xi32, #tpu.memory_space<hbm>>) dst(%arg6 : memref<2x128xi32, #tpu.memory_space<vmem>>)
    %scan3A = arith.constant 0 : i32
    %scan3A_29 = arith.constant 0 : i32
    %scan3A_30 = arith.constant 40 : i32
    %scan3A_31 = arith.addi %scan3A_29, %scan3A_30 : i32
    %scan3A_32 = arith.constant 1 : i32
    %scan3A_33 = scf.for %scan3A_40 = %scan3A_29 to %scan3A_31 step %scan3A_32 iter_args(%scan3A_41 = %scan3A) -> (i32)  : i32 {
      %mul3A_42 = arith.constant 2 : i32
      %mul3A_43 = arith.muli %mul3A_42, %scan3A_40 : i32
      %add3A_44 = arith.addi %mul3A_2, %mul3A_43 : i32
      %add3A_45 = arith.constant 1 : i32
      %add3A_46 = arith.addi %add3A_44, %add3A_45 : i32
      %dma_wait3A_47 = arith.constant 0 : i32
      %dma_wait3A_48 = arith.constant 0 : i32
      %dma_wait3A_49 = tpu.memref_slice %arg3[%add3A_46, %dma_wait3A_47, %dma_wait3A_48] : memref<2560x2x128xi32, #tpu.memory_space<hbm>> -> memref<1x2x128xi32, #tpu.memory_space<hbm>>
      %dma_wait3A_50 = tpu.memref_squeeze %dma_wait3A_49 : memref<1x2x128xi32, #tpu.memory_space<hbm>> -> memref<2x128xi32, #tpu.memory_space<hbm>>
      %dma_wait3A_51 = arith.constant 0 : i32
      %dma_wait3A_52 = arith.constant 0 : i32
      %dma_wait3A_53 = tpu.memref_slice %arg3[%add3A_46, %dma_wait3A_51, %dma_wait3A_52] : memref<2560x2x128xi32, #tpu.memory_space<hbm>> -> memref<1x2x128xi32, #tpu.memory_space<hbm>>
      %dma_wait3A_54 = tpu.memref_squeeze %dma_wait3A_53 : memref<1x2x128xi32, #tpu.memory_space<hbm>> -> memref<2x128xi32, #tpu.memory_space<hbm>>
      tpu.wait_dma2 semaphore(%arg12 : memref<!tpu.dma_semaphore, #tpu.memory_space<semaphore_mem>>) src(%dma_wait3A_54 : memref<2x128xi32, #tpu.memory_space<hbm>>) dst(%arg7 : memref<2x128xi32, #tpu.memory_space<vmem>>)
      %lt3A = arith.constant 39 : i32
      %lt3A_55 = arith.cmpi slt, %scan3A_40, %lt3A : i32
      %convert_element_type3A = arith.extui %lt3A_55 : i1 to i32
      %cond3A = arith.constant 0 : i32
      %cond3A_56 = arith.cmpi ne, %convert_element_type3A, %cond3A : i32
      scf.if %cond3A_56 {
        %add3A_63 = arith.constant 2 : i32
        %add3A_64 = arith.addi %add3A_44, %add3A_63 : i32
        %dma_start3A_65 = arith.constant 0 : i32
        %dma_start3A_66 = arith.constant 0 : i32
        %dma_start3A_67 = tpu.memref_slice %arg3[%add3A_64, %dma_start3A_65, %dma_start3A_66] : memref<2560x2x128xi32, #tpu.memory_space<hbm>> -> memref<1x2x128xi32, #tpu.memory_space<hbm>>
        %dma_start3A_68 = tpu.memref_squeeze %dma_start3A_67 : memref<1x2x128xi32, #tpu.memory_space<hbm>> -> memref<2x128xi32, #tpu.memory_space<hbm>>
        %dma_start3A_69 = arith.constant 0 : i32
        %dma_start3A_70 = arith.constant 0 : i32
        %dma_start3A_71 = tpu.memref_slice %arg3[%add3A_64, %dma_start3A_69, %dma_start3A_70] : memref<2560x2x128xi32, #tpu.memory_space<hbm>> -> memref<1x2x128xi32, #tpu.memory_space<hbm>>
        %dma_start3A_72 = tpu.memref_squeeze %dma_start3A_71 : memref<1x2x128xi32, #tpu.memory_space<hbm>> -> memref<2x128xi32, #tpu.memory_space<hbm>>
        tpu.enqueue_dma source(%dma_start3A_72 : memref<2x128xi32, #tpu.memory_space<hbm>>) target(%arg6 : memref<2x128xi32, #tpu.memory_space<vmem>>) target_semaphore(%arg11 : memref<!tpu.dma_semaphore, #tpu.memory_space<semaphore_mem>>)
        %add3A_73 = arith.constant 2 : i32
        %add3A_74 = arith.addi %add3A_44, %add3A_73 : i32
        %dma_wait3A_75 = arith.constant 0 : i32
        %dma_wait3A_76 = arith.constant 0 : i32
        %dma_wait3A_77 = tpu.memref_slice %arg3[%add3A_74, %dma_wait3A_75, %dma_wait3A_76] : memref<2560x2x128xi32, #tpu.memory_space<hbm>> -> memref<1x2x128xi32, #tpu.memory_space<hbm>>
        %dma_wait3A_78 = tpu.memref_squeeze %dma_wait3A_77 : memref<1x2x128xi32, #tpu.memory_space<hbm>> -> memref<2x128xi32, #tpu.memory_space<hbm>>
        %dma_wait3A_79 = arith.constant 0 : i32
        %dma_wait3A_80 = arith.constant 0 : i32
        %dma_wait3A_81 = tpu.memref_slice %arg3[%add3A_74, %dma_wait3A_79, %dma_wait3A_80] : memref<2560x2x128xi32, #tpu.memory_space<hbm>> -> memref<1x2x128xi32, #tpu.memory_space<hbm>>
        %dma_wait3A_82 = tpu.memref_squeeze %dma_wait3A_81 : memref<1x2x128xi32, #tpu.memory_space<hbm>> -> memref<2x128xi32, #tpu.memory_space<hbm>>
        tpu.wait_dma2 semaphore(%arg11 : memref<!tpu.dma_semaphore, #tpu.memory_space<semaphore_mem>>) src(%dma_wait3A_82 : memref<2x128xi32, #tpu.memory_space<hbm>>) dst(%arg6 : memref<2x128xi32, #tpu.memory_space<vmem>>)
      } else {
      }
      %lt3A_57 = arith.constant 39 : i32
      %lt3A_58 = arith.cmpi slt, %scan3A_40, %lt3A_57 : i32
      %convert_element_type3A_59 = arith.extui %lt3A_58 : i1 to i32
      %cond3A_60 = arith.constant 0 : i32
      %cond3A_61 = arith.cmpi ne, %convert_element_type3A_59, %cond3A_60 : i32
      scf.if %cond3A_61 {
        %add3A_63 = arith.constant 3 : i32
        %add3A_64 = arith.addi %add3A_44, %add3A_63 : i32
        %dma_start3A_65 = arith.constant 0 : i32
        %dma_start3A_66 = arith.constant 0 : i32
        %dma_start3A_67 = tpu.memref_slice %arg3[%add3A_64, %dma_start3A_65, %dma_start3A_66] : memref<2560x2x128xi32, #tpu.memory_space<hbm>> -> memref<1x2x128xi32, #tpu.memory_space<hbm>>
        %dma_start3A_68 = tpu.memref_squeeze %dma_start3A_67 : memref<1x2x128xi32, #tpu.memory_space<hbm>> -> memref<2x128xi32, #tpu.memory_space<hbm>>
        %dma_start3A_69 = arith.constant 0 : i32
        %dma_start3A_70 = arith.constant 0 : i32
        %dma_start3A_71 = tpu.memref_slice %arg3[%add3A_64, %dma_start3A_69, %dma_start3A_70] : memref<2560x2x128xi32, #tpu.memory_space<hbm>> -> memref<1x2x128xi32, #tpu.memory_space<hbm>>
        %dma_start3A_72 = tpu.memref_squeeze %dma_start3A_71 : memref<1x2x128xi32, #tpu.memory_space<hbm>> -> memref<2x128xi32, #tpu.memory_space<hbm>>
        tpu.enqueue_dma source(%dma_start3A_72 : memref<2x128xi32, #tpu.memory_space<hbm>>) target(%arg7 : memref<2x128xi32, #tpu.memory_space<vmem>>) target_semaphore(%arg12 : memref<!tpu.dma_semaphore, #tpu.memory_space<semaphore_mem>>)
      } else {
      }
      %scan3A_62 = arith.constant 0 : i32
      scf.yield %scan3A_62 : i32
    }
    %scan3A_34 = arith.constant 40 : i32
    %barrier3A_35 = arith.constant 0 : index
    tpu.barrier barrier_id(%barrier3A_35)
    %mul3A_36 = arith.constant 640 : i32
    %mul3A_37 = arith.muli %arg1, %mul3A_36 : i32
    %mul3A_38 = arith.constant 640 : i32
    %mul3A_39 = arith.muli %arg1, %mul3A_38 : i32
    "tpu.region"() ({
      %run_scoped3A = tpu.sem_alloc : memref<!tpu.dma_semaphore, #tpu.memory_space<semaphore_mem>>
      %dma_start3A_40 = arith.constant 0 : i32
      %dma_start3A_41 = tpu.memref_slice %arg5[%arg0, %mul3A_39, %dma_start3A_40] : memref<2x10240x128xf32, #tpu.memory_space<hbm>> -> memref<1x640x128xf32, #tpu.memory_space<hbm>>
      %dma_start3A_42 = tpu.memref_squeeze %dma_start3A_41 : memref<1x640x128xf32, #tpu.memory_space<hbm>> -> memref<640x128xf32, #tpu.memory_space<hbm>>
      %dma_start3A_43 = arith.constant 0 : i32
      %dma_start3A_44 = tpu.memref_slice %arg10[%mul3A_37, %dma_start3A_43] : memref<10240x128xf32, #tpu.memory_space<vmem_shared>> -> memref<640x128xf32, #tpu.memory_space<vmem_shared>>
      tpu.enqueue_dma source(%dma_start3A_44 : memref<640x128xf32, #tpu.memory_space<vmem_shared>>) target(%dma_start3A_42 : memref<640x128xf32, #tpu.memory_space<hbm>>) target_semaphore(%run_scoped3A : memref<!tpu.dma_semaphore, #tpu.memory_space<semaphore_mem>>)
      %dma_wait3A_45 = arith.constant 0 : i32
      %dma_wait3A_46 = tpu.memref_slice %arg5[%arg0, %mul3A_39, %dma_wait3A_45] : memref<2x10240x128xf32, #tpu.memory_space<hbm>> -> memref<1x640x128xf32, #tpu.memory_space<hbm>>
      %dma_wait3A_47 = tpu.memref_squeeze %dma_wait3A_46 : memref<1x640x128xf32, #tpu.memory_space<hbm>> -> memref<640x128xf32, #tpu.memory_space<hbm>>
      %dma_wait3A_48 = arith.constant 0 : i32
      %dma_wait3A_49 = tpu.memref_slice %arg10[%mul3A_37, %dma_wait3A_48] : memref<10240x128xf32, #tpu.memory_space<vmem_shared>> -> memref<640x128xf32, #tpu.memory_space<vmem_shared>>
      tpu.wait_dma2 semaphore(%run_scoped3A : memref<!tpu.dma_semaphore, #tpu.memory_space<semaphore_mem>>) src(%dma_wait3A_49 : memref<640x128xf32, #tpu.memory_space<vmem_shared>>) dst(%dma_wait3A_47 : memref<640x128xf32, #tpu.memory_space<hbm>>)
      tpu.yield
    }) : () -> ()
    return
  }
}

#map = affine_map<(d0, d1) -> (0, 0)>
#map1 = affine_map<(d0, d1) -> (0, 0, 0)>
module attributes {stable_mosaic.version = 14 : i64} {
  func.func @k(%arg0: i32, %arg1: i32, %arg2: memref<10240x128xf32, #tpu.memory_space<hbm>>, %arg3: memref<2560x2x128xi32, #tpu.memory_space<hbm>>, %arg4: memref<640x128xf32, #tpu.memory_space<hbm>>, %arg5: memref<2x10240x128xf32, #tpu.memory_space<hbm>>, %arg6: memref<2x128xi32, #tpu.memory_space<vmem>>, %arg7: memref<2x128xi32, #tpu.memory_space<vmem>>, %arg8: memref<128x128xf32, #tpu.memory_space<vmem>>, %arg9: memref<128x128xf32, #tpu.memory_space<vmem>>, %arg10: memref<10240x128xf32, #tpu.memory_space<vmem_shared>>, %arg11: memref<!tpu.dma_semaphore, #tpu.memory_space<semaphore_mem>>, %arg12: memref<!tpu.dma_semaphore, #tpu.memory_space<semaphore_mem>>, %arg13: memref<!tpu.dma_semaphore, #tpu.memory_space<semaphore_mem>>, %arg14: memref<!tpu.dma_semaphore, #tpu.memory_space<semaphore_mem>>) attributes {dimension_semantics = [#tpu.dimension_semantics<core_parallel>, #tpu.dimension_semantics<subcore_parallel>], iteration_bounds = array<i64: 2, 16>, scalar_prefetch = 0 : i64, scratch_operands = 9 : i64, tpu.core_type = #tpu.core_type<sc_vector_subcore>, window_params = [{transform_indices = #map}, {transform_indices = #map1}, {transform_indices = #map}, {transform_indices = #map1}]} {
    %mul3A = arith.constant 16 : i32
    %mul3A_0 = arith.muli %arg0, %mul3A : i32
    %add3A = arith.addi %mul3A_0, %arg1 : i32
    %mul3A_1 = arith.constant 80 : i32
    %mul3A_2 = arith.muli %add3A, %mul3A_1 : i32
    %mul3A_3 = arith.constant 640 : i32
    %mul3A_4 = arith.muli %arg1, %mul3A_3 : i32
    "tpu.region"() ({
      %run_scoped3A = tpu.sem_alloc : memref<!tpu.dma_semaphore, #tpu.memory_space<semaphore_mem>>
      %dma_start3A_40 = arith.constant 0 : i32
      %dma_start3A_41 = tpu.memref_slice %arg10[%mul3A_4, %dma_start3A_40] : memref<10240x128xf32, #tpu.memory_space<vmem_shared>> -> memref<640x128xf32, #tpu.memory_space<vmem_shared>>
      tpu.enqueue_dma source(%arg4 : memref<640x128xf32, #tpu.memory_space<hbm>>) target(%dma_start3A_41 : memref<640x128xf32, #tpu.memory_space<vmem_shared>>) target_semaphore(%run_scoped3A : memref<!tpu.dma_semaphore, #tpu.memory_space<semaphore_mem>>)
      %dma_wait3A_42 = arith.constant 0 : i32
      %dma_wait3A_43 = tpu.memref_slice %arg10[%mul3A_4, %dma_wait3A_42] : memref<10240x128xf32, #tpu.memory_space<vmem_shared>> -> memref<640x128xf32, #tpu.memory_space<vmem_shared>>
      tpu.wait_dma2 semaphore(%run_scoped3A : memref<!tpu.dma_semaphore, #tpu.memory_space<semaphore_mem>>) src(%arg4 : memref<640x128xf32, #tpu.memory_space<hbm>>) dst(%dma_wait3A_43 : memref<640x128xf32, #tpu.memory_space<vmem_shared>>)
      tpu.yield
    }) : () -> ()
    %dma_start3A = arith.constant 0 : i32
    %dma_start3A_5 = arith.constant 0 : i32
    %dma_start3A_6 = tpu.memref_slice %arg3[%mul3A_2, %dma_start3A, %dma_start3A_5] : memref<2560x2x128xi32, #tpu.memory_space<hbm>> -> memref<1x2x128xi32, #tpu.memory_space<hbm>>
    %dma_start3A_7 = tpu.memref_squeeze %dma_start3A_6 : memref<1x2x128xi32, #tpu.memory_space<hbm>> -> memref<2x128xi32, #tpu.memory_space<hbm>>
    %dma_start3A_8 = arith.constant 0 : i32
    %dma_start3A_9 = arith.constant 0 : i32
    %dma_start3A_10 = tpu.memref_slice %arg3[%mul3A_2, %dma_start3A_8, %dma_start3A_9] : memref<2560x2x128xi32, #tpu.memory_space<hbm>> -> memref<1x2x128xi32, #tpu.memory_space<hbm>>
    %dma_start3A_11 = tpu.memref_squeeze %dma_start3A_10 : memref<1x2x128xi32, #tpu.memory_space<hbm>> -> memref<2x128xi32, #tpu.memory_space<hbm>>
    tpu.enqueue_dma source(%dma_start3A_11 : memref<2x128xi32, #tpu.memory_space<hbm>>) target(%arg6 : memref<2x128xi32, #tpu.memory_space<vmem>>) target_semaphore(%arg11 : memref<!tpu.dma_semaphore, #tpu.memory_space<semaphore_mem>>)
    %add3A_12 = arith.constant 1 : i32
    %add3A_13 = arith.addi %mul3A_2, %add3A_12 : i32
    %dma_start3A_14 = arith.constant 0 : i32
    %dma_start3A_15 = arith.constant 0 : i32
    %dma_start3A_16 = tpu.memref_slice %arg3[%add3A_13, %dma_start3A_14, %dma_start3A_15] : memref<2560x2x128xi32, #tpu.memory_space<hbm>> -> memref<1x2x128xi32, #tpu.memory_space<hbm>>
    %dma_start3A_17 = tpu.memref_squeeze %dma_start3A_16 : memref<1x2x128xi32, #tpu.memory_space<hbm>> -> memref<2x128xi32, #tpu.memory_space<hbm>>
    %dma_start3A_18 = arith.constant 0 : i32
    %dma_start3A_19 = arith.constant 0 : i32
    %dma_start3A_20 = tpu.memref_slice %arg3[%add3A_13, %dma_start3A_18, %dma_start3A_19] : memref<2560x2x128xi32, #tpu.memory_space<hbm>> -> memref<1x2x128xi32, #tpu.memory_space<hbm>>
    %dma_start3A_21 = tpu.memref_squeeze %dma_start3A_20 : memref<1x2x128xi32, #tpu.memory_space<hbm>> -> memref<2x128xi32, #tpu.memory_space<hbm>>
    tpu.enqueue_dma source(%dma_start3A_21 : memref<2x128xi32, #tpu.memory_space<hbm>>) target(%arg7 : memref<2x128xi32, #tpu.memory_space<vmem>>) target_semaphore(%arg12 : memref<!tpu.dma_semaphore, #tpu.memory_space<semaphore_mem>>)
    %barrier3A = arith.constant 0 : index
    tpu.barrier barrier_id(%barrier3A)
    %dma_wait3A = arith.constant 0 : i32
    %dma_wait3A_22 = arith.constant 0 : i32
    %dma_wait3A_23 = tpu.memref_slice %arg3[%mul3A_2, %dma_wait3A, %dma_wait3A_22] : memref<2560x2x128xi32, #tpu.memory_space<hbm>> -> memref<1x2x128xi32, #tpu.memory_space<hbm>>
    %dma_wait3A_24 = tpu.memref_squeeze %dma_wait3A_23 : memref<1x2x128xi32, #tpu.memory_space<hbm>> -> memref<2x128xi32, #tpu.memory_space<hbm>>
    %dma_wait3A_25 = arith.constant 0 : i32
    %dma_wait3A_26 = arith.constant 0 : i32
    %dma_wait3A_27 = tpu.memref_slice %arg3[%mul3A_2, %dma_wait3A_25, %dma_wait3A_26] : memref<2560x2x128xi32, #tpu.memory_space<hbm>> -> memref<1x2x128xi32, #tpu.memory_space<hbm>>
    %dma_wait3A_28 = tpu.memref_squeeze %dma_wait3A_27 : memref<1x2x128xi32, #tpu.memory_space<hbm>> -> memref<2x128xi32, #tpu.memory_space<hbm>>
    tpu.wait_dma2 semaphore(%arg11 : memref<!tpu.dma_semaphore, #tpu.memory_space<semaphore_mem>>) src(%dma_wait3A_28 : memref<2x128xi32, #tpu.memory_space<hbm>>) dst(%arg6 : memref<2x128xi32, #tpu.memory_space<vmem>>)
    %scan3A = arith.constant 0 : i32
    %scan3A_29 = arith.constant 0 : i32
    %scan3A_30 = arith.constant 40 : i32
    %scan3A_31 = arith.addi %scan3A_29, %scan3A_30 : i32
    %scan3A_32 = arith.constant 1 : i32
    %scan3A_33 = scf.for %scan3A_40 = %scan3A_29 to %scan3A_31 step %scan3A_32 iter_args(%scan3A_41 = %scan3A) -> (i32)  : i32 {
      %mul3A_42 = arith.constant 2 : i32
      %mul3A_43 = arith.muli %mul3A_42, %scan3A_40 : i32
      %add3A_44 = arith.addi %mul3A_2, %mul3A_43 : i32
      %add3A_45 = arith.constant 1 : i32
      %add3A_46 = arith.addi %add3A_44, %add3A_45 : i32
      %dma_wait3A_47 = arith.constant 0 : i32
      %dma_wait3A_48 = arith.constant 0 : i32
      %dma_wait3A_49 = tpu.memref_slice %arg3[%add3A_46, %dma_wait3A_47, %dma_wait3A_48] : memref<2560x2x128xi32, #tpu.memory_space<hbm>> -> memref<1x2x128xi32, #tpu.memory_space<hbm>>
      %dma_wait3A_50 = tpu.memref_squeeze %dma_wait3A_49 : memref<1x2x128xi32, #tpu.memory_space<hbm>> -> memref<2x128xi32, #tpu.memory_space<hbm>>
      %dma_wait3A_51 = arith.constant 0 : i32
      %dma_wait3A_52 = arith.constant 0 : i32
      %dma_wait3A_53 = tpu.memref_slice %arg3[%add3A_46, %dma_wait3A_51, %dma_wait3A_52] : memref<2560x2x128xi32, #tpu.memory_space<hbm>> -> memref<1x2x128xi32, #tpu.memory_space<hbm>>
      %dma_wait3A_54 = tpu.memref_squeeze %dma_wait3A_53 : memref<1x2x128xi32, #tpu.memory_space<hbm>> -> memref<2x128xi32, #tpu.memory_space<hbm>>
      tpu.wait_dma2 semaphore(%arg12 : memref<!tpu.dma_semaphore, #tpu.memory_space<semaphore_mem>>) src(%dma_wait3A_54 : memref<2x128xi32, #tpu.memory_space<hbm>>) dst(%arg7 : memref<2x128xi32, #tpu.memory_space<vmem>>)
      %run_scoped3A = arith.constant 1 : i32
      "tpu.region"() ({
        %run_scoped3A_64 = tpu.sem_alloc : memref<!tpu.dma_semaphore, #tpu.memory_space<semaphore_mem>>
        %dma_start3A_65 = arith.constant 0 : i32
        %dma_start3A_66 = tpu.memref_slice %arg6[%run_scoped3A, %dma_start3A_65] : memref<2x128xi32, #tpu.memory_space<vmem>> -> memref<1x128xi32, #tpu.memory_space<vmem>>
        %dma_start3A_67 = tpu.memref_squeeze %dma_start3A_66 : memref<1x128xi32, #tpu.memory_space<vmem>> -> memref<128xi32, #tpu.memory_space<vmem>>
        %dma_start3A_68 = arith.constant 0 : i32
        %dma_start3A_69 = arith.constant 0 : i32
        %dma_start3A_70 = tpu.memref_slice %arg10[%dma_start3A_68, %dma_start3A_69] : memref<10240x128xf32, #tpu.memory_space<vmem_shared>> -> memref<10240x128xf32, #tpu.memory_space<vmem_shared>>
        tpu.enqueue_indirect_dma source(%arg8 : memref<128x128xf32, #tpu.memory_space<vmem>>) target(%dma_start3A_70 : memref<10240x128xf32, #tpu.memory_space<vmem_shared>>) offsets(%dma_start3A_67 : memref<128xi32, #tpu.memory_space<vmem>>) semaphore(%run_scoped3A_64 : memref<!tpu.dma_semaphore, #tpu.memory_space<semaphore_mem>>) {add = true}
        %dma_wait3A_71 = arith.constant 0 : i32
        %dma_wait3A_72 = tpu.memref_slice %arg6[%run_scoped3A, %dma_wait3A_71] : memref<2x128xi32, #tpu.memory_space<vmem>> -> memref<1x128xi32, #tpu.memory_space<vmem>>
        %dma_wait3A_73 = tpu.memref_squeeze %dma_wait3A_72 : memref<1x128xi32, #tpu.memory_space<vmem>> -> memref<128xi32, #tpu.memory_space<vmem>>
        %dma_wait3A_74 = arith.constant 0 : i32
        %dma_wait3A_75 = arith.constant 0 : i32
        %dma_wait3A_76 = tpu.memref_slice %arg10[%dma_wait3A_74, %dma_wait3A_75] : memref<10240x128xf32, #tpu.memory_space<vmem_shared>> -> memref<10240x128xf32, #tpu.memory_space<vmem_shared>>
        tpu.wait_indirect_dma semaphore(%run_scoped3A_64 : memref<!tpu.dma_semaphore, #tpu.memory_space<semaphore_mem>>) src(%arg8 : memref<128x128xf32, #tpu.memory_space<vmem>>) dst(%dma_wait3A_76 : memref<10240x128xf32, #tpu.memory_space<vmem_shared>>)
        tpu.yield
      }) : () -> ()
      %lt3A = arith.constant 39 : i32
      %lt3A_55 = arith.cmpi slt, %scan3A_40, %lt3A : i32
      %convert_element_type3A = arith.extui %lt3A_55 : i1 to i32
      %cond3A = arith.constant 0 : i32
      %cond3A_56 = arith.cmpi ne, %convert_element_type3A, %cond3A : i32
      scf.if %cond3A_56 {
        %add3A_64 = arith.constant 2 : i32
        %add3A_65 = arith.addi %add3A_44, %add3A_64 : i32
        %dma_start3A_66 = arith.constant 0 : i32
        %dma_start3A_67 = arith.constant 0 : i32
        %dma_start3A_68 = tpu.memref_slice %arg3[%add3A_65, %dma_start3A_66, %dma_start3A_67] : memref<2560x2x128xi32, #tpu.memory_space<hbm>> -> memref<1x2x128xi32, #tpu.memory_space<hbm>>
        %dma_start3A_69 = tpu.memref_squeeze %dma_start3A_68 : memref<1x2x128xi32, #tpu.memory_space<hbm>> -> memref<2x128xi32, #tpu.memory_space<hbm>>
        %dma_start3A_70 = arith.constant 0 : i32
        %dma_start3A_71 = arith.constant 0 : i32
        %dma_start3A_72 = tpu.memref_slice %arg3[%add3A_65, %dma_start3A_70, %dma_start3A_71] : memref<2560x2x128xi32, #tpu.memory_space<hbm>> -> memref<1x2x128xi32, #tpu.memory_space<hbm>>
        %dma_start3A_73 = tpu.memref_squeeze %dma_start3A_72 : memref<1x2x128xi32, #tpu.memory_space<hbm>> -> memref<2x128xi32, #tpu.memory_space<hbm>>
        tpu.enqueue_dma source(%dma_start3A_73 : memref<2x128xi32, #tpu.memory_space<hbm>>) target(%arg6 : memref<2x128xi32, #tpu.memory_space<vmem>>) target_semaphore(%arg11 : memref<!tpu.dma_semaphore, #tpu.memory_space<semaphore_mem>>)
        %add3A_74 = arith.constant 2 : i32
        %add3A_75 = arith.addi %add3A_44, %add3A_74 : i32
        %dma_wait3A_76 = arith.constant 0 : i32
        %dma_wait3A_77 = arith.constant 0 : i32
        %dma_wait3A_78 = tpu.memref_slice %arg3[%add3A_75, %dma_wait3A_76, %dma_wait3A_77] : memref<2560x2x128xi32, #tpu.memory_space<hbm>> -> memref<1x2x128xi32, #tpu.memory_space<hbm>>
        %dma_wait3A_79 = tpu.memref_squeeze %dma_wait3A_78 : memref<1x2x128xi32, #tpu.memory_space<hbm>> -> memref<2x128xi32, #tpu.memory_space<hbm>>
        %dma_wait3A_80 = arith.constant 0 : i32
        %dma_wait3A_81 = arith.constant 0 : i32
        %dma_wait3A_82 = tpu.memref_slice %arg3[%add3A_75, %dma_wait3A_80, %dma_wait3A_81] : memref<2560x2x128xi32, #tpu.memory_space<hbm>> -> memref<1x2x128xi32, #tpu.memory_space<hbm>>
        %dma_wait3A_83 = tpu.memref_squeeze %dma_wait3A_82 : memref<1x2x128xi32, #tpu.memory_space<hbm>> -> memref<2x128xi32, #tpu.memory_space<hbm>>
        tpu.wait_dma2 semaphore(%arg11 : memref<!tpu.dma_semaphore, #tpu.memory_space<semaphore_mem>>) src(%dma_wait3A_83 : memref<2x128xi32, #tpu.memory_space<hbm>>) dst(%arg6 : memref<2x128xi32, #tpu.memory_space<vmem>>)
      } else {
      }
      %run_scoped3A_57 = arith.constant 1 : i32
      "tpu.region"() ({
        %run_scoped3A_64 = tpu.sem_alloc : memref<!tpu.dma_semaphore, #tpu.memory_space<semaphore_mem>>
        %dma_start3A_65 = arith.constant 0 : i32
        %dma_start3A_66 = tpu.memref_slice %arg7[%run_scoped3A_57, %dma_start3A_65] : memref<2x128xi32, #tpu.memory_space<vmem>> -> memref<1x128xi32, #tpu.memory_space<vmem>>
        %dma_start3A_67 = tpu.memref_squeeze %dma_start3A_66 : memref<1x128xi32, #tpu.memory_space<vmem>> -> memref<128xi32, #tpu.memory_space<vmem>>
        %dma_start3A_68 = arith.constant 0 : i32
        %dma_start3A_69 = arith.constant 0 : i32
        %dma_start3A_70 = tpu.memref_slice %arg10[%dma_start3A_68, %dma_start3A_69] : memref<10240x128xf32, #tpu.memory_space<vmem_shared>> -> memref<10240x128xf32, #tpu.memory_space<vmem_shared>>
        tpu.enqueue_indirect_dma source(%arg9 : memref<128x128xf32, #tpu.memory_space<vmem>>) target(%dma_start3A_70 : memref<10240x128xf32, #tpu.memory_space<vmem_shared>>) offsets(%dma_start3A_67 : memref<128xi32, #tpu.memory_space<vmem>>) semaphore(%run_scoped3A_64 : memref<!tpu.dma_semaphore, #tpu.memory_space<semaphore_mem>>) {add = true}
        %dma_wait3A_71 = arith.constant 0 : i32
        %dma_wait3A_72 = tpu.memref_slice %arg7[%run_scoped3A_57, %dma_wait3A_71] : memref<2x128xi32, #tpu.memory_space<vmem>> -> memref<1x128xi32, #tpu.memory_space<vmem>>
        %dma_wait3A_73 = tpu.memref_squeeze %dma_wait3A_72 : memref<1x128xi32, #tpu.memory_space<vmem>> -> memref<128xi32, #tpu.memory_space<vmem>>
        %dma_wait3A_74 = arith.constant 0 : i32
        %dma_wait3A_75 = arith.constant 0 : i32
        %dma_wait3A_76 = tpu.memref_slice %arg10[%dma_wait3A_74, %dma_wait3A_75] : memref<10240x128xf32, #tpu.memory_space<vmem_shared>> -> memref<10240x128xf32, #tpu.memory_space<vmem_shared>>
        tpu.wait_indirect_dma semaphore(%run_scoped3A_64 : memref<!tpu.dma_semaphore, #tpu.memory_space<semaphore_mem>>) src(%arg9 : memref<128x128xf32, #tpu.memory_space<vmem>>) dst(%dma_wait3A_76 : memref<10240x128xf32, #tpu.memory_space<vmem_shared>>)
        tpu.yield
      }) : () -> ()
      %lt3A_58 = arith.constant 39 : i32
      %lt3A_59 = arith.cmpi slt, %scan3A_40, %lt3A_58 : i32
      %convert_element_type3A_60 = arith.extui %lt3A_59 : i1 to i32
      %cond3A_61 = arith.constant 0 : i32
      %cond3A_62 = arith.cmpi ne, %convert_element_type3A_60, %cond3A_61 : i32
      scf.if %cond3A_62 {
        %add3A_64 = arith.constant 3 : i32
        %add3A_65 = arith.addi %add3A_44, %add3A_64 : i32
        %dma_start3A_66 = arith.constant 0 : i32
        %dma_start3A_67 = arith.constant 0 : i32
        %dma_start3A_68 = tpu.memref_slice %arg3[%add3A_65, %dma_start3A_66, %dma_start3A_67] : memref<2560x2x128xi32, #tpu.memory_space<hbm>> -> memref<1x2x128xi32, #tpu.memory_space<hbm>>
        %dma_start3A_69 = tpu.memref_squeeze %dma_start3A_68 : memref<1x2x128xi32, #tpu.memory_space<hbm>> -> memref<2x128xi32, #tpu.memory_space<hbm>>
        %dma_start3A_70 = arith.constant 0 : i32
        %dma_start3A_71 = arith.constant 0 : i32
        %dma_start3A_72 = tpu.memref_slice %arg3[%add3A_65, %dma_start3A_70, %dma_start3A_71] : memref<2560x2x128xi32, #tpu.memory_space<hbm>> -> memref<1x2x128xi32, #tpu.memory_space<hbm>>
        %dma_start3A_73 = tpu.memref_squeeze %dma_start3A_72 : memref<1x2x128xi32, #tpu.memory_space<hbm>> -> memref<2x128xi32, #tpu.memory_space<hbm>>
        tpu.enqueue_dma source(%dma_start3A_73 : memref<2x128xi32, #tpu.memory_space<hbm>>) target(%arg7 : memref<2x128xi32, #tpu.memory_space<vmem>>) target_semaphore(%arg12 : memref<!tpu.dma_semaphore, #tpu.memory_space<semaphore_mem>>)
      } else {
      }
      %scan3A_63 = arith.constant 0 : i32
      scf.yield %scan3A_63 : i32
    }
    %scan3A_34 = arith.constant 40 : i32
    %barrier3A_35 = arith.constant 0 : index
    tpu.barrier barrier_id(%barrier3A_35)
    %mul3A_36 = arith.constant 640 : i32
    %mul3A_37 = arith.muli %arg1, %mul3A_36 : i32
    %mul3A_38 = arith.constant 640 : i32
    %mul3A_39 = arith.muli %arg1, %mul3A_38 : i32
    "tpu.region"() ({
      %run_scoped3A = tpu.sem_alloc : memref<!tpu.dma_semaphore, #tpu.memory_space<semaphore_mem>>
      %dma_start3A_40 = arith.constant 0 : i32
      %dma_start3A_41 = tpu.memref_slice %arg5[%arg0, %mul3A_39, %dma_start3A_40] : memref<2x10240x128xf32, #tpu.memory_space<hbm>> -> memref<1x640x128xf32, #tpu.memory_space<hbm>>
      %dma_start3A_42 = tpu.memref_squeeze %dma_start3A_41 : memref<1x640x128xf32, #tpu.memory_space<hbm>> -> memref<640x128xf32, #tpu.memory_space<hbm>>
      %dma_start3A_43 = arith.constant 0 : i32
      %dma_start3A_44 = tpu.memref_slice %arg10[%mul3A_37, %dma_start3A_43] : memref<10240x128xf32, #tpu.memory_space<vmem_shared>> -> memref<640x128xf32, #tpu.memory_space<vmem_shared>>
      tpu.enqueue_dma source(%dma_start3A_44 : memref<640x128xf32, #tpu.memory_space<vmem_shared>>) target(%dma_start3A_42 : memref<640x128xf32, #tpu.memory_space<hbm>>) target_semaphore(%run_scoped3A : memref<!tpu.dma_semaphore, #tpu.memory_space<semaphore_mem>>)
      %dma_wait3A_45 = arith.constant 0 : i32
      %dma_wait3A_46 = tpu.memref_slice %arg5[%arg0, %mul3A_39, %dma_wait3A_45] : memref<2x10240x128xf32, #tpu.memory_space<hbm>> -> memref<1x640x128xf32, #tpu.memory_space<hbm>>
      %dma_wait3A_47 = tpu.memref_squeeze %dma_wait3A_46 : memref<1x640x128xf32, #tpu.memory_space<hbm>> -> memref<640x128xf32, #tpu.memory_space<hbm>>
      %dma_wait3A_48 = arith.constant 0 : i32
      %dma_wait3A_49 = tpu.memref_slice %arg10[%mul3A_37, %dma_wait3A_48] : memref<10240x128xf32, #tpu.memory_space<vmem_shared>> -> memref<640x128xf32, #tpu.memory_space<vmem_shared>>
      tpu.wait_dma2 semaphore(%run_scoped3A : memref<!tpu.dma_semaphore, #tpu.memory_space<semaphore_mem>>) src(%dma_wait3A_49 : memref<640x128xf32, #tpu.memory_space<vmem_shared>>) dst(%dma_wait3A_47 : memref<640x128xf32, #tpu.memory_space<hbm>>)
      tpu.yield
    }) : () -> ()
    return
  }
}

</mosaic_0001>

<sc_bundles>
// kernel: kernel.12.cloned.1.call-start
scs
__scs_entry_jumppad:
0x0: {  	(pc) =	sbr.rel $0x88, $3  }
0x1: {  	(tag) =	ssettag $0x0;
	lr =	simm.s32 $0x1  }
0x2: {  	[smem:$0x3F9F] =	sst lr;
	_ =	strace $0xD0000000  }
0x3: {  	_ = 	snop  }
0x4: {  	_ = 	snop  }
0x5: {  	_ = 	snop  }
0x6: {  	_ = 	snop  }
0x7: {  	_ = 	snop  }
__scs_overlays_trampoline_lowered:
0x8: {  	[smem:$0x3FAE] =	sst s0  }
0x9: {  	[smem:$0x3FAF] =	sst s1  }
0xa: {  	[smem:$0x3FB0] =	sst s2  }
0xb: {  	[smem:$0x3FB1] =	sst s3  }
0xc: {  	[smem:$0x3FB2] =	sst s4  }
0xd: {  	[smem:$0x3FB3] =	sst s5  }
0xe: {  	[smem:$0x3FB4] =	sst s6  }
0xf: {  	[smem:$0x3FB5] =	sst s7  }
0x10: {  	[smem:$0x3FB6] =	sst s8  }
0x11: {  	[smem:$0x3FB7] =	sst s9;
	s0 =	simm.s32 @!p0 $0x0  }
0x12: {  	s1 =	sld [smem:$0x3F9D];
	s0 =	simm.s32 @p0 $0x1  }
0x13: {  	[smem:$0x3FB8] =	sst s0;
	s0 =	simm.s32 @!p1 $0x0  }
0x14: {  	s2 =	sld [smem:$0x3F9C];
	s0 =	simm.s32 @p1 $0x1  }
0x15: {  	[smem:$0x3FB9] =	sst s0;
	s0 =	simm.s32 @!p2 $0x0  }
0x16: {  	s3 =	sld [smem:$0x3FDB];
	s0 =	simm.s32 @p2 $0x1  }
0x17: {  	s4 =	simm.s32 $0x1BF5;
	[smem:$0x3FBB] =	sst s0  }
0x18: {  	s0 =	sld [smem:$0x3F9E];
	_ =	swait.ge [sflag:s4], $0x0  }
0x19: {  	s7 =	sld [smem:$0x3F9F]  }
0x1a: {  	s8 =	sadd.s32 $0xFFFFE003, lr  }
0x1b: {  	s9 =	sadd.s32 $0xFFFFFEF7, lr;
	s5 =	simm.s32 $0xFFFFFFFF;
	p2 =	slt.u32 s8, $0xFFFFF086  }
0x1c: {  	p1 =	slt.u32 s9, $0xF7A;
	s5 =	simm.s32 @!p2 $0x0  }
0x1d: {  	s5 =	simm.s32 @p1 $0x1;
	p0 =	seq.s32 s7, s2  }
0x1e: {  	s7 =	smul.u32 @!p0 $0xF7A, s2;
	p2 =	seq.s32 @!p0 s5, $0x0  }
0x1f: {  	s9 =	smul.u32 $0xF7A, s1;
	s8 =	simm.s32 @!p0 $0x1BF5;
	p2 =	por !p2, p0  }
0x20: {  	[sflag:s8] =	ssyncset.s32 @!p0 $0xFFFFF086;
	s6 =	sadd.s32 @!p0 s3, s7;
	s7 =	simm.s32 @!p0 $0x108  }
0x21: {  	s3 =	sadd.s32 s3, s9;
	s6 =	sadd.s32 @!p0 $0x88, s6;
	s7 =	simm.s32 @p2 $0x1082  }
0x22: {  	[simem:s7], [sflag:s8] =	dma.local @!p0 [hbm:s6], $0xF7A  }
0x23: {  	s9 =	sor.u32 $0xD0000000, s2;
	s6 =	simm.s32 $0x108;
	_ =	swait.ge @!p0 [sflag:s8], $0x0  }
0x24: {  	s3 =	sadd.s32 $0x88, s3;
	s6 =	simm.s32 @!p1 $0x1082;
	[sflag:s4] =	ssyncset.s32 $0xFFFFF086  }
0x25: {  	[simem:s6], [sflag:s4] =	dma.local [hbm:s3], $0xF7A  }
0x26: {  	[smem:$0x3F9F] =	sst s1;
	(tag) =	ssettag s2;
	_ =	strace s9  }
0x27: {  	s1 =	sld [smem:$0x3FAF]  }
0x28: {  	s2 =	sld [smem:$0x3FB0]  }
0x29: {  	s4 =	sld [smem:$0x3FB2]  }
0x2a: {  	p0 =	seq.s32 s5, $0x0;
	s5 =	sld [smem:$0x3FB3]  }
0x2b: {  	s6 =	sld [smem:$0x3FB4]  }
0x2c: {  	s7 =	sld [smem:$0x3FB5]  }
0x2d: {  	s3 =	simm.s32 $0x108;
	s8 =	sld [smem:$0x3FB6]  }
0x2e: {  	s3 =	simm.s32 @!p0 $0x1082;
	s9 =	sld [smem:$0x3FB7]  }
0x2f: {  	lr =	sadd.s32 s0, s3;
	s0 =	sld [smem:$0x3FAE]  }
0x30: {  	s3 =	sld [smem:$0x3FB1]  }
0x31: {  	[smem:$0x3FBA] =	sst s10  }
0x32: {  	s10 =	sld [smem:$0x3FB8];
	_ =	sdelay $0x3  }
0x33: {  	p0 =	seq.s32 s10, $0x1;
	s10 =	sld [smem:$0x3FBA];
	_ =	sdelay $0x3  }
0x34: {  	[smem:$0x3FBA] =	sst s10  }
0x35: {  	s10 =	sld [smem:$0x3FB9];
	_ =	sdelay $0x3  }
0x36: {  	p1 =	seq.s32 s10, $0x1;
	s10 =	sld [smem:$0x3FBA];
	_ =	sdelay $0x3  }
0x37: {  	[smem:$0x3FBA] =	sst s10  }
0x38: {  	s10 =	sld [smem:$0x3FBB]  }
0x39: {  	_ = 	snop;
	(pc) =	sbr.ind lr, $3  }
0x3a: {  	_ = 	snop  }
0x3b: {  	_ = 	snop  }
0x3c: {  	p2 =	seq.s32 s10, $0x1;
	s10 =	sld [smem:$0x3FBA]  }
0x3d: {  	_ =	shalt  }
0x3e: {  	_ =	shalt  }
0x3f: {  	_ =	shalt  }
0x40: {  	_ =	shalt  }
0x41: {  	_ =	shalt  }
0x42: {  	_ =	shalt  }
0x43: {  	_ =	shalt  }
0x44: {  	_ =	shalt  }
0x45: {  	_ =	shalt  }
0x46: {  	_ =	shalt  }
0x47: {  	_ =	shalt  }
0x48: {  	_ =	shalt  }
0x49: {  	_ =	shalt  }
0x4a: {  	_ =	shalt  }
0x4b: {  	_ =	shalt  }
0x4c: {  	_ =	shalt  }
0x4d: {  	_ =	shalt  }
0x4e: {  	_ =	shalt  }
0x4f: {  	_ =	shalt  }
0x50: {  	_ =	shalt  }
0x51: {  	_ =	shalt  }
0x52: {  	_ =	shalt  }
0x53: {  	_ =	shalt  }
0x54: {  	_ =	shalt  }
0x55: {  	_ =	shalt  }
0x56: {  	_ =	shalt  }
0x57: {  	_ =	shalt  }
0x58: {  	_ =	shalt  }
0x59: {  	_ =	shalt  }
0x5a: {  	_ =	shalt  }
0x5b: {  	_ =	shalt  }
0x5c: {  	_ =	shalt  }
0x5d: {  	_ =	shalt  }
0x5e: {  	_ =	shalt  }
0x5f: {  	_ =	shalt  }
0x60: {  	_ =	shalt  }
0x61: {  	_ =	shalt  }
0x62: {  	_ =	shalt  }
0x63: {  	_ =	shalt  }
0x64: {  	_ =	shalt  }
0x65: {  	_ =	shalt  }
0x66: {  	_ =	shalt  }
0x67: {  	_ =	shalt  }
0x68: {  	_ =	shalt  }
0x69: {  	_ =	shalt  }
0x6a: {  	_ =	shalt  }
0x6b: {  	_ =	shalt  }
0x6c: {  	_ =	shalt  }
0x6d: {  	_ =	shalt  }
0x6e: {  	_ =	shalt  }
0x6f: {  	_ =	shalt  }
0x70: {  	_ =	shalt  }
0x71: {  	_ =	shalt  }
0x72: {  	_ =	shalt  }
0x73: {  	_ =	shalt  }
0x74: {  	_ =	shalt  }
0x75: {  	_ =	shalt  }
0x76: {  	_ =	shalt  }
0x77: {  	_ =	shalt  }
0x78: {  	_ =	shalt  }
0x79: {  	_ =	shalt  }
0x7a: {  	_ =	shalt  }
0x7b: {  	_ =	shalt  }
0x7c: {  	_ =	shalt  }
0x7d: {  	_ =	shalt  }
0x7e: {  	_ =	shalt  }
0x7f: {  	_ =	shalt  }
0x80: {  	_ =	shalt  }
0x81: {  	_ =	shalt  }
0x82: {  	_ =	shalt  }
0x83: {  	_ =	shalt  }
0x84: {  	_ =	shalt  }
0x85: {  	_ =	shalt  }
0x86: {  	_ =	shalt  }
0x87: {  	_ =	shalt  }
.Lfunc_end0:
.L_simem_size_0:
called_computation.2_lowered:
.L_overlay_start_0:
0x88: {  	s2 =	sld [smem:$0x3FD9]  }
0x89: {  	s3 =	sld [smem:$0x3FFE];
	_ =	sdelay $0x1  }
0x8a: {  	s1 =	srdreg.scid  }
0x8b: {  	s0 =	sand.u32 $0x1, s1  }
0x8c: {  	s17 =	sshll.u32 s0, $0xA;
	s2 =	sadd.s32 s3, s2  }
0x8d: {  	s2 =	sadd.s32 s2, s17  }
0x8e: {  	[smem:$0x3FC6] =	sst s2  }
0x8f: {  	_ = 	snop  }
0x90: {  	(tm) =	ssettm $0x1  }
0x91: {  	s18 =	sld [smem:$0x3FFB];
	_ =	sdelay $0x3  }
0x92: {  	_ =	strace s18  }
0x93: {  	s2 =	sld [smem:$0x3FFC];
	_ =	sdelay $0x3  }
0x94: {  	_ =	strace s2  }
0x95: {  	s2 =	sld [smem:$0x3FFD];
	_ =	sdelay $0x3  }
0x96: {  	_ =	strace s2  }
0x97: {  	_ =	strace $0x8FFFFFFF  }
0x98: {  	s19 =	sld [smem:$0x3FDB];
	_ =	sdelay $0x1  }
0x99: {  	s20 =	simm.s32 $_scs_section_size  }
0x9a: {  	s4 =	simm.s32 $_size__tile_overlayer_lowered;
	s5 =	simm.s32 $_tile_overlayer_lowered  }
0x9b: {  	s6 =	simm.s32 $0x1BFF;
	s21 =	sshll.u32 s5, $0x1;
	s3 =	sadd.s32 s20, s19  }
0x9c: {  	s22 =	simm.s32 $0x0;
	s4 =	sshll.u32 s4, $0x1;
	s5 =	sadd.s32 s21, s3  }
0x9d: {  	[timem:s22], [sflag:s6] =	dma.local [hbm:s5], s4  }
0x9e: {  	_ =	swait.ge [sflag:s6], s4  }
0x9f: {  	s4 =	ssub.s32 $0x0, s4;
	[sflag:s6] =	ssyncset.done $0x0  }
0xa0: {  	[sflag:s6] =	ssyncadd.s32 s4;
	_ =	sdelay $0x1  }
0xa1: {  	s23 =	simm.s32 $0x1B8B  }
0xa2: {  	_ =	swait.ge [sflag:s23], $0x1  }
0xa3: {  	[sflag:s23] =	ssyncset.done $0x0  }
0xa4: {  	[sflag:s23] =	ssyncadd.s32 $0xFFFFFFFF  }
0xa5: {  	s4 =	sld [smem:$0x0]  }
0xa6: {  	s5 =	sand.u32 $0xFFFFFFFE, s1  }
0xa7: {  	p0 =	sne.s32 s1, s5  }
0xa8: {  	s5 =	sshll.u32 @p0 s5, $0xE  }
0xa9: {  	s5 =	sadd.s32 @p0 $0x11B8D, s5;
	s6 =	sshll.u32 @p0 s4, $0x11  }
0xaa: {  	s5 =	sor.u32 @p0 s6, s5  }
0xab: {  	[sflag:s5] =	ssyncadd.remote.s32 @p0 $0x1;
	_ =	sdelay $0x1  }
0xac: {  	s5 =	simm.s32 @p0 $0x1B8D  }
0xad: {  	_ =	swait.eq @p0 [sflag:s5], $0x1  }
0xae: {  	[sflag:s5] =	ssyncadd.s32 @p0 $0xFFFFFFFF  }
0xaf: {  	s6 =	sshll.u32 @!p0 s1, $0xE  }
0xb0: {  	s6 =	sor.u32 @!p0 $0x4000, s6;
	s5 =	simm.s32 @!p0 $0x1B8D  }
0xb1: {  	s4 =	sshll.u32 @!p0 s4, $0x11;
	s6 =	sadd.s32 @!p0 $0x11B8D, s6;
	_ =	swait.eq @!p0 [sflag:s5], $0x1  }
0xb2: {  	s4 =	sor.u32 @!p0 s4, s6;
	[sflag:s5] =	ssyncadd.s32 @!p0 $0xFFFFFFFF  }
0xb3: {  	s25 =	simm.s32 $0x1B8E;
	s24 =	sld [smem:$0x3FFE];
	[sflag:s4] =	ssyncadd.remote.s32 @!p0 $0x1  }
0xb4: {  	s26 =	simm.s32 $execute0_lowered;
	[smem:$0x3FD2] =	sst s25  }
0xb5: {  	s5 =	sshll.u32 s26, $0x1;
	_ =	strace $0x8000004C;
	[dreg:$0x1] =	wrdreg $0xFFFFFFFF  }
0xb6: {  	s28 =	simm.s32 $_size_execute0_lowered;
	s3 =	sadd.s32 s3, s5;
	[dreg:$0x0] =	wrdreg $0x0  }
0xb7: {  	s5 =	sshll.u32 s28, $0x1;
	[dreg:$0x2] =	wrdreg s3  }
0xb8: {  	[dreg:$0x3] =	wrdreg s5  }
0xb9: {  	[dreg:$0x4] =	wrdreg $0xC0  }
0xba: {  	_ =	task [dreg:s22], $0x5FFFF  }
0xbb: {  	[dreg:$0x1] =	wrdreg $0xFFFFFFFF  }
0xbc: {  	[dreg:$0x0] =	wrdreg $0x60  }
0xbd: {  	[dreg:$0x2] =	wrdreg s24  }
0xbe: {  	[dreg:$0x3] =	wrdreg $0x82000  }
0xbf: {  	[dreg:$0x4] =	wrdreg $0xB  }
0xc0: {  	_ =	task.clear_ibuf [dreg:s22], $0x5FFFF;
	_ =	strace $0x9000004C  }
0xc1: {  	s29 =	simm.s32 $0xB;
	_ =	strace $0x8000004E  }
0xc2: {  	_ =	swait.ge [sflag:s29], $0x1  }
0xc3: {  	[sflag:s29] =	ssyncadd.s32 $0xFFFFFFFF  }
0xc4: {  	_ =	strace $0x9000004E  }
0xc5: {  	_ =	sfence  }
0xc6: {  	s30 =	sld [smem:$0x0];
	_ =	sdelay $0x2  }
0xc7: {  	s31 =	sshll.u32 s1, $0xD;
	s1 =	sshrl.u32 s1, $0x2  }
0xc8: {  	s4 =	sand.u32 $0x4000, s31;
	s1 =	sadd.s32 s1, s30  }
0xc9: {  	s0 =	sor.u32 s4, s0;
	s1 =	sshll.u32 s1, $0x11  }
0xca: {  	s0 =	sor.u32 s1, s0  }
0xcb: {  	s0 =	sadd.s32 $0x8F2B, s0  }
0xcc: {  	[sflag:s0] =	ssyncadd.remote.s32 $0x1  }
0xcd: {  	_ =	sfence.sel $0xFFFF  }
0xce: {  	[dreg:$0x0] =	wrdreg $0xFFFFFFFF;
	(pc) =	sbr.abs _section_cstart, $3  }
0xcf: {  	[dreg:$0x1] =	wrdreg $0xFFFFFFFF  }
0xd0: {  	_ =	task.clear_ibuf [dreg:s22], $0x2FFFF;
	_ =	strace $0x9FFFFFFF  }
0xd1: {  	(tm) =	ssettm $0x7FFFFFFF  }
tec
execute0_lowered:
.L_overlay_start_1:
0x0: {  	(tag) =	ssettag $0x1  }
0x1: {  	s9 =	rddreg [dreg:$0x0]  }
0x2: {  	s2 =	rddreg [dreg:$0x1]  }
0x3: {  	s0 =	srdreg.scid;
	s1 =	rddreg [dreg:$0x2];
	s3 =	simm.s32 $0x0  }
0x4: {  	s15 =	simm.s32 $0x2;
	s16 =	simm.s32 $0x80;
	s5 =	sand.u32 $0x1, s0  }
0x5: {  	s17 =	simm.s32 $0x200;
	s0 =	stileid.u32;
	s4 =	smul.u32 $0x140000, s5  }
0x6: {  	s18 =	simm.s32 $0x180;
	s19 =	simm.s32 $0x4200;
	s6 =	smul.u32 $0x14000, s0  }
0x7: {  	s20 =	simm.s32 $0x0;
	[smem:$0x7FF] =	sst s3;
	s10 =	smul.u32 $0x50000, s0  }
0x8: {  	_ =	strace $0x8000004D;
	s7 =	ssub.s32 $0x2, s5;
	s31 =	smul.u32 $0xA000, s5  }
0x9: {  	s8 =	sshll.u32 s5, $0x4;
	s30 =	sshll.u32 s0, $0x6;
	s14 =	smul.u32 $0xA00, s0  }
0xa: {  	s26 =	sshrl.u32 s7, $0x1;
	s8 =	sor.u32 s0, s8;
	s5 =	sor.u32 $0x1C03, s30  }
0xb: {  	s6 =	sadd.s32 s6, s4;
	s4 =	sadd.s32 $0x3C000, s9;
	s12 =	ssub.s32 s7, s26  }
0xc: {  	s28 =	sshrl.u32 s10, $0x2;
	s29 =	smul.u32 $0xA00, s8;
	s10 =	sadd.s32 s31, s9  }
0xd: {  	s6 =	sshrl.u32 s6, $0x3;
	s13 =	sadd.s32 s28, s2;
	s10 =	sadd.s32 s14, s10  }
0xe: {  	s14 =	simm.s32 $0x1;
	s11 =	sadd.s32 s6, s9;
	s6 =	sadd.s32 s9, s29  }
0xf: {  	s9 =	smax.u32 s12, $0x1;
	s12 =	simm.s32 $0x3;
	s7 =	sadd.s32 $0x20, s6  }
0x10: {  	s8 =	sadd.s32 $0xDE800, s11;
	s11 =	sshrl.u32 s13, $0x3;
	s13 =	simm.s32 $0x100  }
.LBB2_1:
0x11: {  	[spmem:s11], [sflag:s5] =	dma.local [hbm:s4], $0x2800  }
0x12: {  	_ =	swait.ge [sflag:s12], $0x2800  }
0x13: {  	[sflag:s12] =	ssyncset.done $0x0  }
0x14: {  	[sflag:s12] =	ssyncadd.s32 $0xFFFFD800  }
0x15: {  	[tilespmem:s3], [sflag:$0x1] =	stream.linear.gather [hbm4b:s6+s3], $0x100, $0x38;
	[tilespmem:$0x1C200] =	vst v63  }
0x16: {  	_ = 	snop  }
0x17: {  	[tilespmem:s13], [sflag:$0x2] =	stream.linear.gather [hbm4b:s7+s3], $0x100, $0x38;
	[tilespmem:$0x1C200] =	vst v63  }
0x18: {  	[bflag:$0x0] =	sbarrier.arrive $0xFFFF  }
0x19: {  	_ =	swait.ge [sflag:s14], $0x100  }
0x1a: {  	[sflag:s14] =	ssyncset.done $0x0  }
0x1b: {  	[sflag:s14] =	ssyncadd.s32 $0xFFFFFF00  }
0x1c: {  	_ =	swait.ge [sflag:s15], $0x100  }
0x1d: {  	[sflag:s15] =	ssyncset.done $0x0  }
0x1e: {  	[sflag:s15] =	ssyncadd.s32 $0xFFFFFF00  }
0x1f: {  	[spmem:s2] =	stream.indirect.scatter.add.f32 [tilespmem:s17], [sflag:$0x3], $0x80, s16, s16, $0xb8;
	[tilespmem:$0x1C200] =	vst v63  }
0x20: {  	_ =	swait.ge [sflag:s12], $0x4000  }
0x21: {  	s22 =	sadd.s32 $0xFFFFF640, s10;
	[sflag:s12] =	ssyncset.done $0x0  }
0x22: {  	s21 =	sadd.s32 $0xA00, s22;
	[sflag:s12] =	ssyncadd.s32 $0xFFFFC000  }
0x23: {  	[tilespmem:s3], [sflag:$0x1] =	stream.linear.gather [hbm4b:s21+s3], $0x100, $0x38;
	[tilespmem:$0x1C200] =	vst v63  }
0x24: {  	_ =	swait.ge [sflag:s14], $0x100  }
0x25: {  	[sflag:s14] =	ssyncset.done $0x0  }
0x26: {  	[sflag:s14] =	ssyncadd.s32 $0xFFFFFF00  }
0x27: {  	[spmem:s2] =	stream.indirect.scatter.add.f32 [tilespmem:s19], [sflag:$0x3], $0x80, s18, s16, $0xb8;
	[tilespmem:$0x1C200] =	vst v63  }
0x28: {  	_ =	swait.ge [sflag:s12], $0x4000  }
0x29: {  	[sflag:s12] =	ssyncset.done $0x0  }
0x2a: {  	s22 =	sadd.s32 $0xA20, s22;
	s21 =	simm.s32 $0xFFFFF680;
	[sflag:s12] =	ssyncadd.s32 $0xFFFFC000  }
.LBB2_2:
0x2b: {  	[tilespmem:s13], [sflag:$0x2] =	stream.linear.gather [hbm4b:s22+s3], $0x100, $0x38;
	[tilespmem:$0x1C200] =	vst v63  }
0x2c: {  	s22 =	smov.u32 s21  }
0x2d: {  	p0 =	sne.s32 s21, $0xFFFFFFC0;
	s21 =	sadd.s32 $0x40, s21;
	_ =	swait.ge [sflag:s15], $0x100  }
0x2e: {  	[sflag:s15] =	ssyncset.done $0x0  }
0x2f: {  	[sflag:s15] =	ssyncadd.s32 $0xFFFFFF00  }
0x30: {  	[spmem:s2] =	stream.indirect.scatter.add.f32 [tilespmem:s17], [sflag:$0x3], $0x80, s16, s16, $0xb8;
	[tilespmem:$0x1C200] =	vst v63  }
0x31: {  	_ =	swait.ge [sflag:s12], $0x4000  }
0x32: {  	s22 =	sadd.s32 s22, s10;
	[sflag:s12] =	ssyncset.done $0x0  }
0x33: {  	s23 =	sadd.s32 $0xA00, s22;
	[sflag:s12] =	ssyncadd.s32 $0xFFFFC000  }
0x34: {  	[tilespmem:s3], [sflag:$0x1] =	stream.linear.gather [hbm4b:s23+s3], $0x100, $0x38;
	[tilespmem:$0x1C200] =	vst v63  }
0x35: {  	_ =	swait.ge [sflag:s14], $0x100  }
0x36: {  	[sflag:s14] =	ssyncset.done $0x0  }
.Ltmp0:
0x37: {  	[sflag:s14] =	ssyncadd.s32 $0xFFFFFF00;
	(pc) =	sbr.rel @p0 .LBB2_2-.Ltmp0, $4  }
0x38: {  	[spmem:s2] =	stream.indirect.scatter.add.f32 [tilespmem:s19], [sflag:$0x3], $0x80, s18, s16, $0xb8;
	[tilespmem:$0x1C200] =	vst v63  }
0x39: {  	_ =	swait.ge [sflag:s12], $0x4000  }
0x3a: {  	[sflag:s12] =	ssyncset.done $0x0  }
0x3b: {  	s22 =	sadd.s32 $0xA20, s22;
	[sflag:s12] =	ssyncadd.s32 $0xFFFFC000  }
0x3c: {  	[tilespmem:s13], [sflag:$0x2] =	stream.linear.gather [hbm4b:s22+s3], $0x100, $0x38;
	[tilespmem:$0x1C200] =	vst v63  }
0x3d: {  	_ =	swait.ge [sflag:s15], $0x100  }
0x3e: {  	[sflag:s15] =	ssyncset.done $0x0  }
0x3f: {  	[sflag:s15] =	ssyncadd.s32 $0xFFFFFF00  }
0x40: {  	[spmem:s2] =	stream.indirect.scatter.add.f32 [tilespmem:s17], [sflag:$0x3], $0x80, s16, s16, $0xb8;
	[tilespmem:$0x1C200] =	vst v63  }
0x41: {  	_ =	swait.ge [sflag:s12], $0x4000  }
0x42: {  	[sflag:s12] =	ssyncset.done $0x0  }
0x43: {  	[sflag:s12] =	ssyncadd.s32 $0xFFFFC000  }
0x44: {  	[spmem:s2] =	stream.indirect.scatter.add.f32 [tilespmem:s19], [sflag:$0x3], $0x80, s18, s16, $0xb8;
	[tilespmem:$0x1C200] =	vst v63  }
0x45: {  	_ =	swait.ge [sflag:s12], $0x4000  }
0x46: {  	s20 =	sadd.s32 $0x1, s20;
	[sflag:s12] =	ssyncset.done $0x0  }
0x47: {  	p0 =	sne.s32 s20, s9;
	[sflag:s12] =	ssyncadd.s32 $0xFFFFC000  }
.Ltmp1:
0x48: {  	[bflag:$0x0] =	sbarrier.arrive $0xFFFF;
	(pc) =	sbr.rel @p0 .LBB2_1-.Ltmp1, $4  }
0x49: {  	[hbm:s8], [sflag:s5] =	dma.local [spmem:s11], $0x2800  }
0x4a: {  	_ =	swait.ge [sflag:s12], $0x2800  }
0x4b: {  	[sflag:s12] =	ssyncset.done $0x0  }
0x4c: {  	[sflag:s12] =	ssyncadd.s32 $0xFFFFD800  }
0x4d: {  	_ =	sfence.sel $0x180000  }
0x4e: {  	[bflag:$0x0] =	sbarrier.arrive $0xFFFF  }
0x4f: {  	p0 =	sne.s32 s0, $0x0;
	_ =	strace $0x9000004D  }
0x50: {  	s0 =	sadd.s32 @!p0 $0x100000, s1;
	[bflag:$0x2] =	sbarrier.arrive $0xFFFF  }
0x51: {  	[sflag:s0] =	ssyncadd.tile.s32 @!p0 $0x1;
	_ =	shalt  }
.Lfunc_end2:
_tile_overlayer_lowered:
.L_overlay_start_2:
0x52: {  	(tag) =	ssettag $0x2  }
0x53: {  	s0 =	rddreg [dreg:$0x0];
	s2 =	stileid.u32  }
0x54: {  	s1 =	rddreg [dreg:$0x1];
	p0 =	sne.s32 s2, $0x0  }
0x55: {  	s3 =	rddreg [dreg:$0x2];
	[bflag:$0x3] =	sbarrier.arrive $0xFFFF;
	s2 =	simm.s32 @!p0 $0x1C03  }
0x56: {  	[timem:s3], [sflag:s2] =	dma.local @!p0 [hbm:s0], s1  }
0x57: {  	s0 =	simm.s32 @!p0 $0x3  }
0x58: {  	_ =	swait.ge @!p0 [sflag:s0], s1  }
0x59: {  	s1 =	ssub.s32 @!p0 $0x0, s1;
	[sflag:s0] =	ssyncset.done @!p0 $0x0  }
0x5a: {  	[sflag:s0] =	ssyncadd.s32 @!p0 s1  }
0x5b: {  	[bflag:$0x3] =	sbarrier.arrive $0xFFFF  }
0x5c: {  	_ =	shalt  }

// kernel: kernel.15.cloned.1.call-start
scs
__scs_entry_jumppad:
0x0: {  	(pc) =	sbr.rel $0x88, $3  }
0x1: {  	(tag) =	ssettag $0x0;
	lr =	simm.s32 $0x1  }
0x2: {  	[smem:$0x3F9F] =	sst lr;
	_ =	strace $0xD0000000  }
0x3: {  	_ = 	snop  }
0x4: {  	_ = 	snop  }
0x5: {  	_ = 	snop  }
0x6: {  	_ = 	snop  }
0x7: {  	_ = 	snop  }
__scs_overlays_trampoline_lowered:
0x8: {  	[smem:$0x3FAE] =	sst s0  }
0x9: {  	[smem:$0x3FAF] =	sst s1  }
0xa: {  	[smem:$0x3FB0] =	sst s2  }
0xb: {  	[smem:$0x3FB1] =	sst s3  }
0xc: {  	[smem:$0x3FB2] =	sst s4  }
0xd: {  	[smem:$0x3FB3] =	sst s5  }
0xe: {  	[smem:$0x3FB4] =	sst s6  }
0xf: {  	[smem:$0x3FB5] =	sst s7  }
0x10: {  	[smem:$0x3FB6] =	sst s8  }
0x11: {  	[smem:$0x3FB7] =	sst s9;
	s0 =	simm.s32 @!p0 $0x0  }
0x12: {  	s1 =	sld [smem:$0x3F9D];
	s0 =	simm.s32 @p0 $0x1  }
0x13: {  	[smem:$0x3FB8] =	sst s0;
	s0 =	simm.s32 @!p1 $0x0  }
0x14: {  	s2 =	sld [smem:$0x3F9C];
	s0 =	simm.s32 @p1 $0x1  }
0x15: {  	[smem:$0x3FB9] =	sst s0;
	s0 =	simm.s32 @!p2 $0x0  }
0x16: {  	s3 =	sld [smem:$0x3FDB];
	s0 =	simm.s32 @p2 $0x1  }
0x17: {  	s4 =	simm.s32 $0x1BF5;
	[smem:$0x3FBB] =	sst s0  }
0x18: {  	s0 =	sld [smem:$0x3F9E];
	_ =	swait.ge [sflag:s4], $0x0  }
0x19: {  	s7 =	sld [smem:$0x3F9F]  }
0x1a: {  	s8 =	sadd.s32 $0xFFFFE003, lr  }
0x1b: {  	s9 =	sadd.s32 $0xFFFFFEF7, lr;
	s5 =	simm.s32 $0xFFFFFFFF;
	p2 =	slt.u32 s8, $0xFFFFF086  }
0x1c: {  	p1 =	slt.u32 s9, $0xF7A;
	s5 =	simm.s32 @!p2 $0x0  }
0x1d: {  	s5 =	simm.s32 @p1 $0x1;
	p0 =	seq.s32 s7, s2  }
0x1e: {  	s7 =	smul.u32 @!p0 $0xF7A, s2;
	p2 =	seq.s32 @!p0 s5, $0x0  }
0x1f: {  	s9 =	smul.u32 $0xF7A, s1;
	s8 =	simm.s32 @!p0 $0x1BF5;
	p2 =	por !p2, p0  }
0x20: {  	[sflag:s8] =	ssyncset.s32 @!p0 $0xFFFFF086;
	s6 =	sadd.s32 @!p0 s3, s7;
	s7 =	simm.s32 @!p0 $0x108  }
0x21: {  	s3 =	sadd.s32 s3, s9;
	s6 =	sadd.s32 @!p0 $0x88, s6;
	s7 =	simm.s32 @p2 $0x1082  }
0x22: {  	[simem:s7], [sflag:s8] =	dma.local @!p0 [hbm:s6], $0xF7A  }
0x23: {  	s9 =	sor.u32 $0xD0000000, s2;
	s6 =	simm.s32 $0x108;
	_ =	swait.ge @!p0 [sflag:s8], $0x0  }
0x24: {  	s3 =	sadd.s32 $0x88, s3;
	s6 =	simm.s32 @!p1 $0x1082;
	[sflag:s4] =	ssyncset.s32 $0xFFFFF086  }
0x25: {  	[simem:s6], [sflag:s4] =	dma.local [hbm:s3], $0xF7A  }
0x26: {  	[smem:$0x3F9F] =	sst s1;
	(tag) =	ssettag s2;
	_ =	strace s9  }
0x27: {  	s1 =	sld [smem:$0x3FAF]  }
0x28: {  	s2 =	sld [smem:$0x3FB0]  }
0x29: {  	s4 =	sld [smem:$0x3FB2]  }
0x2a: {  	p0 =	seq.s32 s5, $0x0;
	s5 =	sld [smem:$0x3FB3]  }
0x2b: {  	s6 =	sld [smem:$0x3FB4]  }
0x2c: {  	s7 =	sld [smem:$0x3FB5]  }
0x2d: {  	s3 =	simm.s32 $0x108;
	s8 =	sld [smem:$0x3FB6]  }
0x2e: {  	s3 =	simm.s32 @!p0 $0x1082;
	s9 =	sld [smem:$0x3FB7]  }
0x2f: {  	lr =	sadd.s32 s0, s3;
	s0 =	sld [smem:$0x3FAE]  }
0x30: {  	s3 =	sld [smem:$0x3FB1]  }
0x31: {  	[smem:$0x3FBA] =	sst s10  }
0x32: {  	s10 =	sld [smem:$0x3FB8];
	_ =	sdelay $0x3  }
0x33: {  	p0 =	seq.s32 s10, $0x1;
	s10 =	sld [smem:$0x3FBA];
	_ =	sdelay $0x3  }
0x34: {  	[smem:$0x3FBA] =	sst s10  }
0x35: {  	s10 =	sld [smem:$0x3FB9];
	_ =	sdelay $0x3  }
0x36: {  	p1 =	seq.s32 s10, $0x1;
	s10 =	sld [smem:$0x3FBA];
	_ =	sdelay $0x3  }
0x37: {  	[smem:$0x3FBA] =	sst s10  }
0x38: {  	s10 =	sld [smem:$0x3FBB]  }
0x39: {  	_ = 	snop;
	(pc) =	sbr.ind lr, $3  }
0x3a: {  	_ = 	snop  }
0x3b: {  	_ = 	snop  }
0x3c: {  	p2 =	seq.s32 s10, $0x1;
	s10 =	sld [smem:$0x3FBA]  }
0x3d: {  	_ =	shalt  }
0x3e: {  	_ =	shalt  }
0x3f: {  	_ =	shalt  }
0x40: {  	_ =	shalt  }
0x41: {  	_ =	shalt  }
0x42: {  	_ =	shalt  }
0x43: {  	_ =	shalt  }
0x44: {  	_ =	shalt  }
0x45: {  	_ =	shalt  }
0x46: {  	_ =	shalt  }
0x47: {  	_ =	shalt  }
0x48: {  	_ =	shalt  }
0x49: {  	_ =	shalt  }
0x4a: {  	_ =	shalt  }
0x4b: {  	_ =	shalt  }
0x4c: {  	_ =	shalt  }
0x4d: {  	_ =	shalt  }
0x4e: {  	_ =	shalt  }
0x4f: {  	_ =	shalt  }
0x50: {  	_ =	shalt  }
0x51: {  	_ =	shalt  }
0x52: {  	_ =	shalt  }
0x53: {  	_ =	shalt  }
0x54: {  	_ =	shalt  }
0x55: {  	_ =	shalt  }
0x56: {  	_ =	shalt  }
0x57: {  	_ =	shalt  }
0x58: {  	_ =	shalt  }
0x59: {  	_ =	shalt  }
0x5a: {  	_ =	shalt  }
0x5b: {  	_ =	shalt  }
0x5c: {  	_ =	shalt  }
0x5d: {  	_ =	shalt  }
0x5e: {  	_ =	shalt  }
0x5f: {  	_ =	shalt  }
0x60: {  	_ =	shalt  }
0x61: {  	_ =	shalt  }
0x62: {  	_ =	shalt  }
0x63: {  	_ =	shalt  }
0x64: {  	_ =	shalt  }
0x65: {  	_ =	shalt  }
0x66: {  	_ =	shalt  }
0x67: {  	_ =	shalt  }
0x68: {  	_ =	shalt  }
0x69: {  	_ =	shalt  }
0x6a: {  	_ =	shalt  }
0x6b: {  	_ =	shalt  }
0x6c: {  	_ =	shalt  }
0x6d: {  	_ =	shalt  }
0x6e: {  	_ =	shalt  }
0x6f: {  	_ =	shalt  }
0x70: {  	_ =	shalt  }
0x71: {  	_ =	shalt  }
0x72: {  	_ =	shalt  }
0x73: {  	_ =	shalt  }
0x74: {  	_ =	shalt  }
0x75: {  	_ =	shalt  }
0x76: {  	_ =	shalt  }
0x77: {  	_ =	shalt  }
0x78: {  	_ =	shalt  }
0x79: {  	_ =	shalt  }
0x7a: {  	_ =	shalt  }
0x7b: {  	_ =	shalt  }
0x7c: {  	_ =	shalt  }
0x7d: {  	_ =	shalt  }
0x7e: {  	_ =	shalt  }
0x7f: {  	_ =	shalt  }
0x80: {  	_ =	shalt  }
0x81: {  	_ =	shalt  }
0x82: {  	_ =	shalt  }
0x83: {  	_ =	shalt  }
0x84: {  	_ =	shalt  }
0x85: {  	_ =	shalt  }
0x86: {  	_ =	shalt  }
0x87: {  	_ =	shalt  }
.Lfunc_end0:
.L_simem_size_0:
called_computation.3_lowered:
.L_overlay_start_0:
0x88: {  	s2 =	sld [smem:$0x3FD9]  }
0x89: {  	s3 =	sld [smem:$0x3FFE];
	_ =	sdelay $0x1  }
0x8a: {  	s1 =	srdreg.scid  }
0x8b: {  	s0 =	sand.u32 $0x1, s1  }
0x8c: {  	s17 =	sshll.u32 s0, $0xA;
	s2 =	sadd.s32 s3, s2  }
0x8d: {  	s2 =	sadd.s32 s2, s17  }
0x8e: {  	[smem:$0x3FC6] =	sst s2  }
0x8f: {  	_ = 	snop  }
0x90: {  	(tm) =	ssettm $0x1  }
0x91: {  	s18 =	sld [smem:$0x3FFB];
	_ =	sdelay $0x3  }
0x92: {  	_ =	strace s18  }
0x93: {  	s2 =	sld [smem:$0x3FFC];
	_ =	sdelay $0x3  }
0x94: {  	_ =	strace s2  }
0x95: {  	s2 =	sld [smem:$0x3FFD];
	_ =	sdelay $0x3  }
0x96: {  	_ =	strace s2  }
0x97: {  	_ =	strace $0x8FFFFFFF  }
0x98: {  	s19 =	sld [smem:$0x3FDB];
	_ =	sdelay $0x1  }
0x99: {  	s20 =	simm.s32 $_scs_section_size  }
0x9a: {  	s4 =	simm.s32 $_size__tile_overlayer_lowered;
	s5 =	simm.s32 $_tile_overlayer_lowered  }
0x9b: {  	s6 =	simm.s32 $0x1BFF;
	s21 =	sshll.u32 s5, $0x1;
	s3 =	sadd.s32 s20, s19  }
0x9c: {  	s22 =	simm.s32 $0x0;
	s4 =	sshll.u32 s4, $0x1;
	s5 =	sadd.s32 s21, s3  }
0x9d: {  	[timem:s22], [sflag:s6] =	dma.local [hbm:s5], s4  }
0x9e: {  	_ =	swait.ge [sflag:s6], s4  }
0x9f: {  	s4 =	ssub.s32 $0x0, s4;
	[sflag:s6] =	ssyncset.done $0x0  }
0xa0: {  	[sflag:s6] =	ssyncadd.s32 s4;
	_ =	sdelay $0x1  }
0xa1: {  	s23 =	simm.s32 $0x1B8B  }
0xa2: {  	_ =	swait.ge [sflag:s23], $0x1  }
0xa3: {  	[sflag:s23] =	ssyncset.done $0x0  }
0xa4: {  	[sflag:s23] =	ssyncadd.s32 $0xFFFFFFFF  }
0xa5: {  	s4 =	sld [smem:$0x0]  }
0xa6: {  	s5 =	sand.u32 $0xFFFFFFFE, s1  }
0xa7: {  	p0 =	sne.s32 s1, s5  }
0xa8: {  	s5 =	sshll.u32 @p0 s5, $0xE  }
0xa9: {  	s5 =	sadd.s32 @p0 $0x11B8D, s5;
	s6 =	sshll.u32 @p0 s4, $0x11  }
0xaa: {  	s5 =	sor.u32 @p0 s6, s5  }
0xab: {  	[sflag:s5] =	ssyncadd.remote.s32 @p0 $0x1;
	_ =	sdelay $0x1  }
0xac: {  	s5 =	simm.s32 @p0 $0x1B8D  }
0xad: {  	_ =	swait.eq @p0 [sflag:s5], $0x1  }
0xae: {  	[sflag:s5] =	ssyncadd.s32 @p0 $0xFFFFFFFF  }
0xaf: {  	s6 =	sshll.u32 @!p0 s1, $0xE  }
0xb0: {  	s6 =	sor.u32 @!p0 $0x4000, s6;
	s5 =	simm.s32 @!p0 $0x1B8D  }
0xb1: {  	s4 =	sshll.u32 @!p0 s4, $0x11;
	s6 =	sadd.s32 @!p0 $0x11B8D, s6;
	_ =	swait.eq @!p0 [sflag:s5], $0x1  }
0xb2: {  	s4 =	sor.u32 @!p0 s4, s6;
	[sflag:s5] =	ssyncadd.s32 @!p0 $0xFFFFFFFF  }
0xb3: {  	s25 =	simm.s32 $0x1B8E;
	s24 =	sld [smem:$0x3FFE];
	[sflag:s4] =	ssyncadd.remote.s32 @!p0 $0x1  }
0xb4: {  	s26 =	simm.s32 $execute0_lowered;
	[smem:$0x3FD2] =	sst s25  }
0xb5: {  	s5 =	sshll.u32 s26, $0x1;
	_ =	strace $0x8000004F;
	[dreg:$0x1] =	wrdreg $0xFFFFFFFF  }
0xb6: {  	s28 =	simm.s32 $_size_execute0_lowered;
	s3 =	sadd.s32 s3, s5;
	[dreg:$0x0] =	wrdreg $0x0  }
0xb7: {  	s5 =	sshll.u32 s28, $0x1;
	[dreg:$0x2] =	wrdreg s3  }
0xb8: {  	[dreg:$0x3] =	wrdreg s5  }
0xb9: {  	[dreg:$0x4] =	wrdreg $0xC0  }
0xba: {  	_ =	task [dreg:s22], $0x5FFFF  }
0xbb: {  	[dreg:$0x1] =	wrdreg $0xFFFFFFFF  }
0xbc: {  	[dreg:$0x0] =	wrdreg $0x60  }
0xbd: {  	[dreg:$0x2] =	wrdreg s24  }
0xbe: {  	[dreg:$0x3] =	wrdreg $0x82000  }
0xbf: {  	[dreg:$0x4] =	wrdreg $0xC  }
0xc0: {  	_ =	task.clear_ibuf [dreg:s22], $0x5FFFF;
	_ =	strace $0x9000004F  }
0xc1: {  	s29 =	simm.s32 $0xC;
	_ =	strace $0x80000051  }
0xc2: {  	_ =	swait.ge [sflag:s29], $0x1  }
0xc3: {  	[sflag:s29] =	ssyncadd.s32 $0xFFFFFFFF  }
0xc4: {  	_ =	strace $0x90000051  }
0xc5: {  	_ =	sfence  }
0xc6: {  	s30 =	sld [smem:$0x0];
	_ =	sdelay $0x2  }
0xc7: {  	s31 =	sshll.u32 s1, $0xD;
	s1 =	sshrl.u32 s1, $0x2  }
0xc8: {  	s4 =	sand.u32 $0x4000, s31;
	s1 =	sadd.s32 s1, s30  }
0xc9: {  	s0 =	sor.u32 s4, s0;
	s1 =	sshll.u32 s1, $0x11  }
0xca: {  	s0 =	sor.u32 s1, s0  }
0xcb: {  	s0 =	sadd.s32 $0x8F2B, s0  }
0xcc: {  	[sflag:s0] =	ssyncadd.remote.s32 $0x1  }
0xcd: {  	_ =	sfence.sel $0xFFFF  }
0xce: {  	[dreg:$0x0] =	wrdreg $0xFFFFFFFF;
	(pc) =	sbr.abs _section_cstart, $3  }
0xcf: {  	[dreg:$0x1] =	wrdreg $0xFFFFFFFF  }
0xd0: {  	_ =	task.clear_ibuf [dreg:s22], $0x2FFFF;
	_ =	strace $0x9FFFFFFF  }
0xd1: {  	(tm) =	ssettm $0x7FFFFFFF  }
tec
execute0_lowered:
.L_overlay_start_1:
0x0: {  	(tag) =	ssettag $0x1  }
0x1: {  	s9 =	rddreg [dreg:$0x0]  }
0x2: {  	s1 =	rddreg [dreg:$0x1]  }
0x3: {  	s2 =	srdreg.scid;
	s0 =	rddreg [dreg:$0x2];
	s3 =	simm.s32 $0x0  }
0x4: {  	s16 =	simm.s32 $0x80;
	s17 =	simm.s32 $0x200;
	s18 =	simm.s32 $0x2  }
0x5: {  	s19 =	simm.s32 $0x4200;
	s20 =	simm.s32 $0x3;
	s21 =	simm.s32 $0x4  }
0x6: {  	s22 =	simm.s32 $0x180;
	s6 =	sand.u32 $0x1, s2;
	s2 =	stileid.u32  }
0x7: {  	s23 =	simm.s32 $0x0;
	[smem:$0x7FF] =	sst s3;
	s7 =	smul.u32 $0x140000, s6  }
0x8: {  	s4 =	sadd.s32 $0x14000, s9;
	s5 =	sadd.s32 $0x3C000, s9;
	s8 =	smul.u32 $0x14000, s2  }
0x9: {  	_ =	strace $0x80000050;
	s28 =	sshll.u32 s6, $0x4;
	s10 =	smul.u32 $0x50000, s2  }
0xa: {  	s29 =	ssub.s32 $0x2, s6;
	s30 =	smul.u32 $0xA000, s6;
	s31 =	sshll.u32 s2, $0x6  }
0xb: {  	s14 =	smul.u32 $0xA00, s2;
	s12 =	sshrl.u32 s29, $0x1;
	s7 =	sadd.s32 s8, s7  }
0xc: {  	s8 =	sor.u32 s2, s28;
	s10 =	sshrl.u32 s10, $0x2;
	s12 =	ssub.s32 s29, s12  }
0xd: {  	s15 =	sadd.s32 s30, s9;
	s7 =	sshrl.u32 s7, $0x3;
	s8 =	smul.u32 $0xA00, s8  }
0xe: {  	s13 =	sadd.s32 s10, s1;
	s10 =	smax.u32 s12, $0x1;
	s11 =	sadd.s32 s7, s9  }
0xf: {  	s7 =	sor.u32 $0x1C05, s31;
	s12 =	sshrl.u32 s13, $0x3;
	s13 =	simm.s32 $0x5  }
0x10: {  	s6 =	sadd.s32 s9, s8;
	s9 =	sadd.s32 $0x12E800, s11;
	s11 =	sadd.s32 s14, s15  }
0x11: {  	s14 =	simm.s32 $0x100;
	s15 =	simm.s32 $0x1;
	s8 =	sadd.s32 $0x20, s6  }
.LBB2_1:
0x12: {  	[spmem:s12], [sflag:s7] =	dma.local [hbm:s5], $0x2800  }
0x13: {  	_ =	swait.ge [sflag:s13], $0x2800  }
0x14: {  	[sflag:s13] =	ssyncset.done $0x0  }
0x15: {  	[sflag:s13] =	ssyncadd.s32 $0xFFFFD800  }
0x16: {  	[tilespmem:s3], [sflag:$0x1] =	stream.linear.gather [hbm4b:s6+s3], $0x100, $0x38;
	[tilespmem:$0x1C200] =	vst v63  }
0x17: {  	_ = 	snop  }
0x18: {  	[tilespmem:s14], [sflag:$0x2] =	stream.linear.gather [hbm4b:s8+s3], $0x100, $0x38;
	[tilespmem:$0x1C200] =	vst v63  }
0x19: {  	[bflag:$0x0] =	sbarrier.arrive $0xFFFF  }
0x1a: {  	_ =	swait.ge [sflag:s15], $0x100  }
0x1b: {  	[sflag:s15] =	ssyncset.done $0x0  }
0x1c: {  	[sflag:s15] =	ssyncadd.s32 $0xFFFFFF00  }
0x1d: {  	[tilespmem:s17], [sflag:$0x3] =	stream.indirect.gather [hbm4b:s4+s16], $0x80, s3, s16, $0xb8;
	[tilespmem:$0x1C200] =	vst v63  }
0x1e: {  	_ =	swait.ge [sflag:s18], $0x100  }
0x1f: {  	[sflag:s18] =	ssyncset.done $0x0  }
0x20: {  	[sflag:s18] =	ssyncadd.s32 $0xFFFFFF00  }
0x21: {  	[tilespmem:s19], [sflag:$0x4] =	stream.indirect.gather [hbm4b:s4+s16], $0x80, s14, s16, $0xb8;
	[tilespmem:$0x1C200] =	vst v63  }
0x22: {  	_ =	swait.ge [sflag:s20], $0x4000  }
0x23: {  	[sflag:s20] =	ssyncset.done $0x0  }
0x24: {  	[sflag:s20] =	ssyncadd.s32 $0xFFFFC000  }
0x25: {  	[spmem:s1] =	stream.indirect.scatter.add.f32 [tilespmem:s17], [sflag:$0x5], $0x80, s16, s16, $0xb8;
	[tilespmem:$0x1C200] =	vst v63  }
0x26: {  	_ =	swait.ge [sflag:s13], $0x4000  }
0x27: {  	s25 =	sadd.s32 $0xFFFFF640, s11;
	[sflag:s13] =	ssyncset.done $0x0  }
0x28: {  	s24 =	sadd.s32 $0xA00, s25;
	[sflag:s13] =	ssyncadd.s32 $0xFFFFC000  }
0x29: {  	[tilespmem:s3], [sflag:$0x1] =	stream.linear.gather [hbm4b:s24+s3], $0x100, $0x38;
	[tilespmem:$0x1C200] =	vst v63  }
0x2a: {  	_ =	swait.ge [sflag:s15], $0x100  }
0x2b: {  	[sflag:s15] =	ssyncset.done $0x0  }
0x2c: {  	[sflag:s15] =	ssyncadd.s32 $0xFFFFFF00  }
0x2d: {  	[tilespmem:s17], [sflag:$0x3] =	stream.indirect.gather [hbm4b:s4+s16], $0x80, s3, s16, $0xb8;
	[tilespmem:$0x1C200] =	vst v63  }
0x2e: {  	_ =	swait.ge [sflag:s21], $0x4000  }
0x2f: {  	[sflag:s21] =	ssyncset.done $0x0  }
0x30: {  	[sflag:s21] =	ssyncadd.s32 $0xFFFFC000  }
0x31: {  	[spmem:s1] =	stream.indirect.scatter.add.f32 [tilespmem:s19], [sflag:$0x5], $0x80, s22, s16, $0xb8;
	[tilespmem:$0x1C200] =	vst v63  }
0x32: {  	_ =	swait.ge [sflag:s13], $0x4000  }
0x33: {  	[sflag:s13] =	ssyncset.done $0x0  }
0x34: {  	s25 =	sadd.s32 $0xA20, s25;
	s24 =	simm.s32 $0xFFFFF680;
	[sflag:s13] =	ssyncadd.s32 $0xFFFFC000  }
.LBB2_2:
0x35: {  	[tilespmem:s14], [sflag:$0x2] =	stream.linear.gather [hbm4b:s25+s3], $0x100, $0x38;
	[tilespmem:$0x1C200] =	vst v63  }
0x36: {  	s25 =	smov.u32 s24  }
0x37: {  	p0 =	sne.s32 s24, $0xFFFFFFC0;
	s24 =	sadd.s32 $0x40, s24;
	_ =	swait.ge [sflag:s18], $0x100  }
0x38: {  	[sflag:s18] =	ssyncset.done $0x0  }
0x39: {  	[sflag:s18] =	ssyncadd.s32 $0xFFFFFF00  }
0x3a: {  	[tilespmem:s19], [sflag:$0x4] =	stream.indirect.gather [hbm4b:s4+s16], $0x80, s14, s16, $0xb8;
	[tilespmem:$0x1C200] =	vst v63  }
0x3b: {  	_ =	swait.ge [sflag:s20], $0x4000  }
0x3c: {  	[sflag:s20] =	ssyncset.done $0x0  }
0x3d: {  	[sflag:s20] =	ssyncadd.s32 $0xFFFFC000  }
0x3e: {  	[spmem:s1] =	stream.indirect.scatter.add.f32 [tilespmem:s17], [sflag:$0x5], $0x80, s16, s16, $0xb8;
	[tilespmem:$0x1C200] =	vst v63  }
0x3f: {  	_ =	swait.ge [sflag:s13], $0x4000  }
0x40: {  	s25 =	sadd.s32 s25, s11;
	[sflag:s13] =	ssyncset.done $0x0  }
0x41: {  	s26 =	sadd.s32 $0xA00, s25;
	[sflag:s13] =	ssyncadd.s32 $0xFFFFC000  }
0x42: {  	[tilespmem:s3], [sflag:$0x1] =	stream.linear.gather [hbm4b:s26+s3], $0x100, $0x38;
	[tilespmem:$0x1C200] =	vst v63  }
0x43: {  	_ =	swait.ge [sflag:s15], $0x100  }
0x44: {  	[sflag:s15] =	ssyncset.done $0x0  }
0x45: {  	[sflag:s15] =	ssyncadd.s32 $0xFFFFFF00  }
0x46: {  	[tilespmem:s17], [sflag:$0x3] =	stream.indirect.gather [hbm4b:s4+s16], $0x80, s3, s16, $0xb8;
	[tilespmem:$0x1C200] =	vst v63  }
0x47: {  	_ =	swait.ge [sflag:s21], $0x4000  }
0x48: {  	[sflag:s21] =	ssyncset.done $0x0  }
.Ltmp0:
0x49: {  	[sflag:s21] =	ssyncadd.s32 $0xFFFFC000;
	(pc) =	sbr.rel @p0 .LBB2_2-.Ltmp0, $4  }
0x4a: {  	[spmem:s1] =	stream.indirect.scatter.add.f32 [tilespmem:s19], [sflag:$0x5], $0x80, s22, s16, $0xb8;
	[tilespmem:$0x1C200] =	vst v63  }
0x4b: {  	_ =	swait.ge [sflag:s13], $0x4000  }
0x4c: {  	[sflag:s13] =	ssyncset.done $0x0  }
0x4d: {  	s25 =	sadd.s32 $0xA20, s25;
	[sflag:s13] =	ssyncadd.s32 $0xFFFFC000  }
0x4e: {  	[tilespmem:s14], [sflag:$0x2] =	stream.linear.gather [hbm4b:s25+s3], $0x100, $0x38;
	[tilespmem:$0x1C200] =	vst v63  }
0x4f: {  	_ =	swait.ge [sflag:s18], $0x100  }
0x50: {  	[sflag:s18] =	ssyncset.done $0x0  }
0x51: {  	[sflag:s18] =	ssyncadd.s32 $0xFFFFFF00  }
0x52: {  	[tilespmem:s19], [sflag:$0x4] =	stream.indirect.gather [hbm4b:s4+s16], $0x80, s14, s16, $0xb8;
	[tilespmem:$0x1C200] =	vst v63  }
0x53: {  	_ =	swait.ge [sflag:s20], $0x4000  }
0x54: {  	[sflag:s20] =	ssyncset.done $0x0  }
0x55: {  	[sflag:s20] =	ssyncadd.s32 $0xFFFFC000  }
0x56: {  	[spmem:s1] =	stream.indirect.scatter.add.f32 [tilespmem:s17], [sflag:$0x5], $0x80, s16, s16, $0xb8;
	[tilespmem:$0x1C200] =	vst v63  }
0x57: {  	_ =	swait.ge [sflag:s13], $0x4000  }
0x58: {  	[sflag:s13] =	ssyncset.done $0x0  }
0x59: {  	[sflag:s13] =	ssyncadd.s32 $0xFFFFC000  }
0x5a: {  	_ =	swait.ge [sflag:s21], $0x4000  }
0x5b: {  	[sflag:s21] =	ssyncset.done $0x0  }
0x5c: {  	[sflag:s21] =	ssyncadd.s32 $0xFFFFC000  }
0x5d: {  	[spmem:s1] =	stream.indirect.scatter.add.f32 [tilespmem:s19], [sflag:$0x5], $0x80, s22, s16, $0xb8;
	[tilespmem:$0x1C200] =	vst v63  }
0x5e: {  	_ =	swait.ge [sflag:s13], $0x4000  }
0x5f: {  	s23 =	sadd.s32 $0x1, s23;
	[sflag:s13] =	ssyncset.done $0x0  }
0x60: {  	p0 =	sne.s32 s23, s10;
	[sflag:s13] =	ssyncadd.s32 $0xFFFFC000  }
.Ltmp1:
0x61: {  	[bflag:$0x0] =	sbarrier.arrive $0xFFFF;
	(pc) =	sbr.rel @p0 .LBB2_1-.Ltmp1, $4  }
0x62: {  	[hbm:s9], [sflag:s7] =	dma.local [spmem:s12], $0x2800  }
0x63: {  	_ =	swait.ge [sflag:s13], $0x2800  }
0x64: {  	[sflag:s13] =	ssyncset.done $0x0  }
0x65: {  	[sflag:s13] =	ssyncadd.s32 $0xFFFFD800  }
0x66: {  	_ =	sfence.sel $0x180000  }
0x67: {  	[bflag:$0x0] =	sbarrier.arrive $0xFFFF  }
0x68: {  	p0 =	sne.s32 s2, $0x0;
	_ =	strace $0x90000050  }
0x69: {  	s0 =	sadd.s32 @!p0 $0x100000, s0;
	[bflag:$0x2] =	sbarrier.arrive $0xFFFF  }
0x6a: {  	[sflag:s0] =	ssyncadd.tile.s32 @!p0 $0x1;
	_ =	shalt  }
.Lfunc_end2:
_tile_overlayer_lowered:
.L_overlay_start_2:
0x6b: {  	(tag) =	ssettag $0x2  }
0x6c: {  	s0 =	rddreg [dreg:$0x0];
	s2 =	stileid.u32  }
0x6d: {  	s1 =	rddreg [dreg:$0x1];
	p0 =	sne.s32 s2, $0x0  }
0x6e: {  	s3 =	rddreg [dreg:$0x2];
	[bflag:$0x3] =	sbarrier.arrive $0xFFFF;
	s2 =	simm.s32 @!p0 $0x1C05  }
0x6f: {  	[timem:s3], [sflag:s2] =	dma.local @!p0 [hbm:s0], s1  }
0x70: {  	s0 =	simm.s32 @!p0 $0x5  }
0x71: {  	_ =	swait.ge @!p0 [sflag:s0], s1  }
0x72: {  	s1 =	ssub.s32 @!p0 $0x0, s1;
	[sflag:s0] =	ssyncset.done @!p0 $0x0  }
0x73: {  	[sflag:s0] =	ssyncadd.s32 @!p0 s1  }
0x74: {  	[bflag:$0x3] =	sbarrier.arrive $0xFFFF  }
0x75: {  	_ =	shalt  }

// kernel: kernel.6.cloned.1.call-start
scs
__scs_entry_jumppad:
0x0: {  	(pc) =	sbr.rel $0x88, $3  }
0x1: {  	(tag) =	ssettag $0x0;
	lr =	simm.s32 $0x1  }
0x2: {  	[smem:$0x3F9F] =	sst lr;
	_ =	strace $0xD0000000  }
0x3: {  	_ = 	snop  }
0x4: {  	_ = 	snop  }
0x5: {  	_ = 	snop  }
0x6: {  	_ = 	snop  }
0x7: {  	_ = 	snop  }
__scs_overlays_trampoline_lowered:
0x8: {  	[smem:$0x3FAE] =	sst s0  }
0x9: {  	[smem:$0x3FAF] =	sst s1  }
0xa: {  	[smem:$0x3FB0] =	sst s2  }
0xb: {  	[smem:$0x3FB1] =	sst s3  }
0xc: {  	[smem:$0x3FB2] =	sst s4  }
0xd: {  	[smem:$0x3FB3] =	sst s5  }
0xe: {  	[smem:$0x3FB4] =	sst s6  }
0xf: {  	[smem:$0x3FB5] =	sst s7  }
0x10: {  	[smem:$0x3FB6] =	sst s8  }
0x11: {  	[smem:$0x3FB7] =	sst s9;
	s0 =	simm.s32 @!p0 $0x0  }
0x12: {  	s1 =	sld [smem:$0x3F9D];
	s0 =	simm.s32 @p0 $0x1  }
0x13: {  	[smem:$0x3FB8] =	sst s0;
	s0 =	simm.s32 @!p1 $0x0  }
0x14: {  	s2 =	sld [smem:$0x3F9C];
	s0 =	simm.s32 @p1 $0x1  }
0x15: {  	[smem:$0x3FB9] =	sst s0;
	s0 =	simm.s32 @!p2 $0x0  }
0x16: {  	s3 =	sld [smem:$0x3FDB];
	s0 =	simm.s32 @p2 $0x1  }
0x17: {  	s4 =	simm.s32 $0x1BF5;
	[smem:$0x3FBB] =	sst s0  }
0x18: {  	s0 =	sld [smem:$0x3F9E];
	_ =	swait.ge [sflag:s4], $0x0  }
0x19: {  	s7 =	sld [smem:$0x3F9F]  }
0x1a: {  	s8 =	sadd.s32 $0xFFFFE003, lr  }
0x1b: {  	s9 =	sadd.s32 $0xFFFFFEF7, lr;
	s5 =	simm.s32 $0xFFFFFFFF;
	p2 =	slt.u32 s8, $0xFFFFF086  }
0x1c: {  	p1 =	slt.u32 s9, $0xF7A;
	s5 =	simm.s32 @!p2 $0x0  }
0x1d: {  	s5 =	simm.s32 @p1 $0x1;
	p0 =	seq.s32 s7, s2  }
0x1e: {  	s7 =	smul.u32 @!p0 $0xF7A, s2;
	p2 =	seq.s32 @!p0 s5, $0x0  }
0x1f: {  	s9 =	smul.u32 $0xF7A, s1;
	s8 =	simm.s32 @!p0 $0x1BF5;
	p2 =	por !p2, p0  }
0x20: {  	[sflag:s8] =	ssyncset.s32 @!p0 $0xFFFFF086;
	s6 =	sadd.s32 @!p0 s3, s7;
	s7 =	simm.s32 @!p0 $0x108  }
0x21: {  	s3 =	sadd.s32 s3, s9;
	s6 =	sadd.s32 @!p0 $0x88, s6;
	s7 =	simm.s32 @p2 $0x1082  }
0x22: {  	[simem:s7], [sflag:s8] =	dma.local @!p0 [hbm:s6], $0xF7A  }
0x23: {  	s9 =	sor.u32 $0xD0000000, s2;
	s6 =	simm.s32 $0x108;
	_ =	swait.ge @!p0 [sflag:s8], $0x0  }
0x24: {  	s3 =	sadd.s32 $0x88, s3;
	s6 =	simm.s32 @!p1 $0x1082;
	[sflag:s4] =	ssyncset.s32 $0xFFFFF086  }
0x25: {  	[simem:s6], [sflag:s4] =	dma.local [hbm:s3], $0xF7A  }
0x26: {  	[smem:$0x3F9F] =	sst s1;
	(tag) =	ssettag s2;
	_ =	strace s9  }
0x27: {  	s1 =	sld [smem:$0x3FAF]  }
0x28: {  	s2 =	sld [smem:$0x3FB0]  }
0x29: {  	s4 =	sld [smem:$0x3FB2]  }
0x2a: {  	p0 =	seq.s32 s5, $0x0;
	s5 =	sld [smem:$0x3FB3]  }
0x2b: {  	s6 =	sld [smem:$0x3FB4]  }
0x2c: {  	s7 =	sld [smem:$0x3FB5]  }
0x2d: {  	s3 =	simm.s32 $0x108;
	s8 =	sld [smem:$0x3FB6]  }
0x2e: {  	s3 =	simm.s32 @!p0 $0x1082;
	s9 =	sld [smem:$0x3FB7]  }
0x2f: {  	lr =	sadd.s32 s0, s3;
	s0 =	sld [smem:$0x3FAE]  }
0x30: {  	s3 =	sld [smem:$0x3FB1]  }
0x31: {  	[smem:$0x3FBA] =	sst s10  }
0x32: {  	s10 =	sld [smem:$0x3FB8];
	_ =	sdelay $0x3  }
0x33: {  	p0 =	seq.s32 s10, $0x1;
	s10 =	sld [smem:$0x3FBA];
	_ =	sdelay $0x3  }
0x34: {  	[smem:$0x3FBA] =	sst s10  }
0x35: {  	s10 =	sld [smem:$0x3FB9];
	_ =	sdelay $0x3  }
0x36: {  	p1 =	seq.s32 s10, $0x1;
	s10 =	sld [smem:$0x3FBA];
	_ =	sdelay $0x3  }
0x37: {  	[smem:$0x3FBA] =	sst s10  }
0x38: {  	s10 =	sld [smem:$0x3FBB]  }
0x39: {  	_ = 	snop;
	(pc) =	sbr.ind lr, $3  }
0x3a: {  	_ = 	snop  }
0x3b: {  	_ = 	snop  }
0x3c: {  	p2 =	seq.s32 s10, $0x1;
	s10 =	sld [smem:$0x3FBA]  }
0x3d: {  	_ =	shalt  }
0x3e: {  	_ =	shalt  }
0x3f: {  	_ =	shalt  }
0x40: {  	_ =	shalt  }
0x41: {  	_ =	shalt  }
0x42: {  	_ =	shalt  }
0x43: {  	_ =	shalt  }
0x44: {  	_ =	shalt  }
0x45: {  	_ =	shalt  }
0x46: {  	_ =	shalt  }
0x47: {  	_ =	shalt  }
0x48: {  	_ =	shalt  }
0x49: {  	_ =	shalt  }
0x4a: {  	_ =	shalt  }
0x4b: {  	_ =	shalt  }
0x4c: {  	_ =	shalt  }
0x4d: {  	_ =	shalt  }
0x4e: {  	_ =	shalt  }
0x4f: {  	_ =	shalt  }
0x50: {  	_ =	shalt  }
0x51: {  	_ =	shalt  }
0x52: {  	_ =	shalt  }
0x53: {  	_ =	shalt  }
0x54: {  	_ =	shalt  }
0x55: {  	_ =	shalt  }
0x56: {  	_ =	shalt  }
0x57: {  	_ =	shalt  }
0x58: {  	_ =	shalt  }
0x59: {  	_ =	shalt  }
0x5a: {  	_ =	shalt  }
0x5b: {  	_ =	shalt  }
0x5c: {  	_ =	shalt  }
0x5d: {  	_ =	shalt  }
0x5e: {  	_ =	shalt  }
0x5f: {  	_ =	shalt  }
0x60: {  	_ =	shalt  }
0x61: {  	_ =	shalt  }
0x62: {  	_ =	shalt  }
0x63: {  	_ =	shalt  }
0x64: {  	_ =	shalt  }
0x65: {  	_ =	shalt  }
0x66: {  	_ =	shalt  }
0x67: {  	_ =	shalt  }
0x68: {  	_ =	shalt  }
0x69: {  	_ =	shalt  }
0x6a: {  	_ =	shalt  }
0x6b: {  	_ =	shalt  }
0x6c: {  	_ =	shalt  }
0x6d: {  	_ =	shalt  }
0x6e: {  	_ =	shalt  }
0x6f: {  	_ =	shalt  }
0x70: {  	_ =	shalt  }
0x71: {  	_ =	shalt  }
0x72: {  	_ =	shalt  }
0x73: {  	_ =	shalt  }
0x74: {  	_ =	shalt  }
0x75: {  	_ =	shalt  }
0x76: {  	_ =	shalt  }
0x77: {  	_ =	shalt  }
0x78: {  	_ =	shalt  }
0x79: {  	_ =	shalt  }
0x7a: {  	_ =	shalt  }
0x7b: {  	_ =	shalt  }
0x7c: {  	_ =	shalt  }
0x7d: {  	_ =	shalt  }
0x7e: {  	_ =	shalt  }
0x7f: {  	_ =	shalt  }
0x80: {  	_ =	shalt  }
0x81: {  	_ =	shalt  }
0x82: {  	_ =	shalt  }
0x83: {  	_ =	shalt  }
0x84: {  	_ =	shalt  }
0x85: {  	_ =	shalt  }
0x86: {  	_ =	shalt  }
0x87: {  	_ =	shalt  }
.Lfunc_end0:
.L_simem_size_0:
called_computation_lowered:
.L_overlay_start_0:
0x88: {  	s2 =	sld [smem:$0x3FD9]  }
0x89: {  	s3 =	sld [smem:$0x3FFE];
	_ =	sdelay $0x1  }
0x8a: {  	s1 =	srdreg.scid  }
0x8b: {  	s0 =	sand.u32 $0x1, s1  }
0x8c: {  	s17 =	sshll.u32 s0, $0xA;
	s2 =	sadd.s32 s3, s2  }
0x8d: {  	s2 =	sadd.s32 s2, s17  }
0x8e: {  	[smem:$0x3FC6] =	sst s2  }
0x8f: {  	_ = 	snop  }
0x90: {  	(tm) =	ssettm $0x1  }
0x91: {  	s18 =	sld [smem:$0x3FFB];
	_ =	sdelay $0x3  }
0x92: {  	_ =	strace s18  }
0x93: {  	s2 =	sld [smem:$0x3FFC];
	_ =	sdelay $0x3  }
0x94: {  	_ =	strace s2  }
0x95: {  	s2 =	sld [smem:$0x3FFD];
	_ =	sdelay $0x3  }
0x96: {  	_ =	strace s2  }
0x97: {  	_ =	strace $0x8FFFFFFF  }
0x98: {  	s19 =	sld [smem:$0x3FDB];
	_ =	sdelay $0x1  }
0x99: {  	s20 =	simm.s32 $_scs_section_size  }
0x9a: {  	s4 =	simm.s32 $_size__tile_overlayer_lowered;
	s5 =	simm.s32 $_tile_overlayer_lowered  }
0x9b: {  	s6 =	simm.s32 $0x1BFF;
	s21 =	sshll.u32 s5, $0x1;
	s3 =	sadd.s32 s20, s19  }
0x9c: {  	s22 =	simm.s32 $0x0;
	s4 =	sshll.u32 s4, $0x1;
	s5 =	sadd.s32 s21, s3  }
0x9d: {  	[timem:s22], [sflag:s6] =	dma.local [hbm:s5], s4  }
0x9e: {  	_ =	swait.ge [sflag:s6], s4  }
0x9f: {  	s4 =	ssub.s32 $0x0, s4;
	[sflag:s6] =	ssyncset.done $0x0  }
0xa0: {  	[sflag:s6] =	ssyncadd.s32 s4;
	_ =	sdelay $0x1  }
0xa1: {  	s23 =	simm.s32 $0x1B8B  }
0xa2: {  	_ =	swait.ge [sflag:s23], $0x1  }
0xa3: {  	[sflag:s23] =	ssyncset.done $0x0  }
0xa4: {  	[sflag:s23] =	ssyncadd.s32 $0xFFFFFFFF  }
0xa5: {  	s4 =	sld [smem:$0x0]  }
0xa6: {  	s5 =	sand.u32 $0xFFFFFFFE, s1  }
0xa7: {  	p0 =	sne.s32 s1, s5  }
0xa8: {  	s5 =	sshll.u32 @p0 s5, $0xE  }
0xa9: {  	s5 =	sadd.s32 @p0 $0x11B8D, s5;
	s6 =	sshll.u32 @p0 s4, $0x11  }
0xaa: {  	s5 =	sor.u32 @p0 s6, s5  }
0xab: {  	[sflag:s5] =	ssyncadd.remote.s32 @p0 $0x1;
	_ =	sdelay $0x1  }
0xac: {  	s5 =	simm.s32 @p0 $0x1B8D  }
0xad: {  	_ =	swait.eq @p0 [sflag:s5], $0x1  }
0xae: {  	[sflag:s5] =	ssyncadd.s32 @p0 $0xFFFFFFFF  }
0xaf: {  	s6 =	sshll.u32 @!p0 s1, $0xE  }
0xb0: {  	s6 =	sor.u32 @!p0 $0x4000, s6;
	s5 =	simm.s32 @!p0 $0x1B8D  }
0xb1: {  	s4 =	sshll.u32 @!p0 s4, $0x11;
	s6 =	sadd.s32 @!p0 $0x11B8D, s6;
	_ =	swait.eq @!p0 [sflag:s5], $0x1  }
0xb2: {  	s4 =	sor.u32 @!p0 s4, s6;
	[sflag:s5] =	ssyncadd.s32 @!p0 $0xFFFFFFFF  }
0xb3: {  	s25 =	simm.s32 $0x1B8E;
	s24 =	sld [smem:$0x3FFE];
	[sflag:s4] =	ssyncadd.remote.s32 @!p0 $0x1  }
0xb4: {  	s26 =	simm.s32 $execute0_lowered;
	[smem:$0x3FD2] =	sst s25  }
0xb5: {  	s5 =	sshll.u32 s26, $0x1;
	_ =	strace $0x80000049;
	[dreg:$0x1] =	wrdreg $0xFFFFFFFF  }
0xb6: {  	s28 =	simm.s32 $_size_execute0_lowered;
	s3 =	sadd.s32 s3, s5;
	[dreg:$0x0] =	wrdreg $0x0  }
0xb7: {  	s5 =	sshll.u32 s28, $0x1;
	[dreg:$0x2] =	wrdreg s3  }
0xb8: {  	[dreg:$0x3] =	wrdreg s5  }
0xb9: {  	[dreg:$0x4] =	wrdreg $0xC0  }
0xba: {  	_ =	task [dreg:s22], $0x5FFFF  }
0xbb: {  	[dreg:$0x1] =	wrdreg $0xFFFFFFFF  }
0xbc: {  	[dreg:$0x0] =	wrdreg $0x60  }
0xbd: {  	[dreg:$0x2] =	wrdreg s24  }
0xbe: {  	[dreg:$0x3] =	wrdreg $0x2000  }
0xbf: {  	[dreg:$0x4] =	wrdreg $0x9  }
0xc0: {  	_ =	task.clear_ibuf [dreg:s22], $0x5FFFF;
	_ =	strace $0x90000049  }
0xc1: {  	s29 =	simm.s32 $0x9;
	_ =	strace $0x8000004B  }
0xc2: {  	_ =	swait.ge [sflag:s29], $0x1  }
0xc3: {  	[sflag:s29] =	ssyncadd.s32 $0xFFFFFFFF  }
0xc4: {  	_ =	strace $0x9000004B  }
0xc5: {  	_ =	sfence  }
0xc6: {  	s30 =	sld [smem:$0x0];
	_ =	sdelay $0x2  }
0xc7: {  	s31 =	sshll.u32 s1, $0xD;
	s1 =	sshrl.u32 s1, $0x2  }
0xc8: {  	s4 =	sand.u32 $0x4000, s31;
	s1 =	sadd.s32 s1, s30  }
0xc9: {  	s0 =	sor.u32 s4, s0;
	s1 =	sshll.u32 s1, $0x11  }
0xca: {  	s0 =	sor.u32 s1, s0  }
0xcb: {  	s0 =	sadd.s32 $0x8F2B, s0  }
0xcc: {  	[sflag:s0] =	ssyncadd.remote.s32 $0x1  }
0xcd: {  	_ =	sfence.sel $0xFFFF  }
0xce: {  	[dreg:$0x0] =	wrdreg $0xFFFFFFFF;
	(pc) =	sbr.abs _section_cstart, $3  }
0xcf: {  	[dreg:$0x1] =	wrdreg $0xFFFFFFFF  }
0xd0: {  	_ =	task.clear_ibuf [dreg:s22], $0x2FFFF;
	_ =	strace $0x9FFFFFFF  }
0xd1: {  	(tm) =	ssettm $0x7FFFFFFF  }
tec
execute0_lowered:
.L_overlay_start_1:
0x0: {  	(tag) =	ssettag $0x1  }
0x1: {  	s7 =	rddreg [dreg:$0x0];
	s0 =	srdreg.scid  }
0x2: {  	s4 =	rddreg [dreg:$0x1];
	s1 =	stileid.u32  }
0x3: {  	s2 =	simm.s32 $0x0;
	s14 =	simm.s32 $0x2;
	s8 =	smul.u32 $0x14000, s1  }
0x4: {  	s5 =	sand.u32 $0x1, s0;
	s0 =	rddreg [dreg:$0x2];
	s9 =	smul.u32 $0x50000, s1  }
0x5: {  	s15 =	simm.s32 $0x0;
	[smem:$0x7FF] =	sst s2;
	s13 =	smul.u32 $0xA00, s1  }
0x6: {  	s3 =	sadd.s32 $0x3C000, s7;
	s31 =	sshll.u32 s1, $0x6;
	s6 =	smul.u32 $0x140000, s5  }
0x7: {  	_ =	strace $0x8000004A;
	s28 =	sshll.u32 s5, $0x4;
	s29 =	ssub.s32 $0x2, s5  }
0x8: {  	s30 =	smul.u32 $0xA000, s5;
	s5 =	sor.u32 $0x1C03, s31;
	s11 =	sshrl.u32 s29, $0x1  }
0x9: {  	s9 =	sshrl.u32 s9, $0x2;
	s6 =	sadd.s32 s8, s6;
	s8 =	sor.u32 s1, s28  }
0xa: {  	s12 =	sadd.s32 s9, s4;
	s9 =	sadd.s32 s30, s7;
	s8 =	smul.u32 $0xA00, s8  }
0xb: {  	s11 =	ssub.s32 s29, s11;
	s6 =	sshrl.u32 s6, $0x3;
	s9 =	sadd.s32 s13, s9  }
0xc: {  	s13 =	simm.s32 $0x1;
	s10 =	sadd.s32 s6, s7;
	s4 =	sadd.s32 s7, s8  }
0xd: {  	s7 =	sadd.s32 $0x8E800, s10;
	s8 =	smax.u32 s11, $0x1;
	s10 =	sshrl.u32 s12, $0x3  }
0xe: {  	s11 =	simm.s32 $0x3;
	s12 =	simm.s32 $0x100;
	s6 =	sadd.s32 $0x20, s4  }
.LBB2_1:
0xf: {  	[spmem:s10], [sflag:s5] =	dma.local [hbm:s3], $0x2800  }
0x10: {  	_ =	swait.ge [sflag:s11], $0x2800  }
0x11: {  	[sflag:s11] =	ssyncset.done $0x0  }
0x12: {  	[sflag:s11] =	ssyncadd.s32 $0xFFFFD800  }
0x13: {  	[tilespmem:s2], [sflag:$0x1] =	stream.linear.gather [hbm4b:s4+s2], $0x100, $0x38;
	[tilespmem:$0x14200] =	vst v63  }
0x14: {  	_ = 	snop  }
0x15: {  	[tilespmem:s12], [sflag:$0x2] =	stream.linear.gather [hbm4b:s6+s2], $0x100, $0x38;
	[tilespmem:$0x14200] =	vst v63  }
0x16: {  	[bflag:$0x0] =	sbarrier.arrive $0xFFFF  }
0x17: {  	_ =	swait.ge [sflag:s13], $0x100  }
0x18: {  	[sflag:s13] =	ssyncset.done $0x0  }
0x19: {  	[sflag:s13] =	ssyncadd.s32 $0xFFFFFF00  }
0x1a: {  	_ =	swait.ge [sflag:s14], $0x100  }
0x1b: {  	s17 =	sadd.s32 $0xFFFFF640, s9;
	[sflag:s14] =	ssyncset.done $0x0  }
0x1c: {  	s16 =	sadd.s32 $0xA00, s17;
	[sflag:s14] =	ssyncadd.s32 $0xFFFFFF00  }
0x1d: {  	[tilespmem:s2], [sflag:$0x1] =	stream.linear.gather [hbm4b:s16+s2], $0x100, $0x38;
	[tilespmem:$0x14200] =	vst v63  }
0x1e: {  	_ =	swait.ge [sflag:s13], $0x100  }
0x1f: {  	[sflag:s13] =	ssyncset.done $0x0  }
0x20: {  	s17 =	sadd.s32 $0xA20, s17;
	s16 =	simm.s32 $0xFFFFF680;
	[sflag:s13] =	ssyncadd.s32 $0xFFFFFF00  }
.LBB2_2:
0x21: {  	[tilespmem:s12], [sflag:$0x2] =	stream.linear.gather [hbm4b:s17+s2], $0x100, $0x38;
	[tilespmem:$0x14200] =	vst v63  }
0x22: {  	s17 =	smov.u32 s16  }
0x23: {  	p0 =	sne.s32 s16, $0xFFFFFFC0;
	s16 =	sadd.s32 $0x40, s16;
	_ =	swait.ge [sflag:s14], $0x100  }
0x24: {  	s17 =	sadd.s32 s17, s9;
	[sflag:s14] =	ssyncset.done $0x0  }
.Ltmp0:
0x25: {  	s18 =	sadd.s32 $0xA00, s17;
	[sflag:s14] =	ssyncadd.s32 $0xFFFFFF00;
	(pc) =	sbr.rel @p0 .LBB2_2-.Ltmp0, $4  }
0x26: {  	[tilespmem:s2], [sflag:$0x1] =	stream.linear.gather [hbm4b:s18+s2], $0x100, $0x38;
	[tilespmem:$0x14200] =	vst v63  }
0x27: {  	_ =	swait.ge [sflag:s13], $0x100  }
0x28: {  	[sflag:s13] =	ssyncset.done $0x0  }
0x29: {  	s17 =	sadd.s32 $0xA20, s17;
	[sflag:s13] =	ssyncadd.s32 $0xFFFFFF00  }
0x2a: {  	[tilespmem:s12], [sflag:$0x2] =	stream.linear.gather [hbm4b:s17+s2], $0x100, $0x38;
	[tilespmem:$0x14200] =	vst v63  }
0x2b: {  	_ =	swait.ge [sflag:s14], $0x100  }
0x2c: {  	s15 =	sadd.s32 $0x1, s15;
	[sflag:s14] =	ssyncset.done $0x0  }
0x2d: {  	p0 =	sne.s32 s15, s8;
	[sflag:s14] =	ssyncadd.s32 $0xFFFFFF00  }
.Ltmp1:
0x2e: {  	[bflag:$0x0] =	sbarrier.arrive $0xFFFF;
	(pc) =	sbr.rel @p0 .LBB2_1-.Ltmp1, $4  }
0x2f: {  	[hbm:s7], [sflag:s5] =	dma.local [spmem:s10], $0x2800  }
0x30: {  	_ =	swait.ge [sflag:s11], $0x2800  }
0x31: {  	[sflag:s11] =	ssyncset.done $0x0  }
0x32: {  	[sflag:s11] =	ssyncadd.s32 $0xFFFFD800  }
0x33: {  	_ =	sfence.sel $0x180000  }
0x34: {  	[bflag:$0x0] =	sbarrier.arrive $0xFFFF  }
0x35: {  	p0 =	sne.s32 s1, $0x0;
	_ =	strace $0x9000004A  }
0x36: {  	s0 =	sadd.s32 @!p0 $0x100000, s0;
	[bflag:$0x2] =	sbarrier.arrive $0xFFFF  }
0x37: {  	[sflag:s0] =	ssyncadd.tile.s32 @!p0 $0x1;
	_ =	shalt  }
.Lfunc_end2:
_tile_overlayer_lowered:
.L_overlay_start_2:
0x38: {  	(tag) =	ssettag $0x2  }
0x39: {  	s0 =	rddreg [dreg:$0x0];
	s2 =	stileid.u32  }
0x3a: {  	s1 =	rddreg [dreg:$0x1];
	p0 =	sne.s32 s2, $0x0  }
0x3b: {  	s3 =	rddreg [dreg:$0x2];
	[bflag:$0x3] =	sbarrier.arrive $0xFFFF;
	s2 =	simm.s32 @!p0 $0x1C03  }
0x3c: {  	[timem:s3], [sflag:s2] =	dma.local @!p0 [hbm:s0], s1  }
0x3d: {  	s0 =	simm.s32 @!p0 $0x3  }
0x3e: {  	_ =	swait.ge @!p0 [sflag:s0], s1  }
0x3f: {  	s1 =	ssub.s32 @!p0 $0x0, s1;
	[sflag:s0] =	ssyncset.done @!p0 $0x0  }
0x40: {  	[sflag:s0] =	ssyncadd.s32 @!p0 s1  }
0x41: {  	[bflag:$0x3] =	sbarrier.arrive $0xFFFF  }
0x42: {  	_ =	shalt  }

// kernel: kernel.9.cloned.1.call-start
scs
__scs_entry_jumppad:
0x0: {  	(pc) =	sbr.rel $0x88, $3  }
0x1: {  	(tag) =	ssettag $0x0;
	lr =	simm.s32 $0x1  }
0x2: {  	[smem:$0x3F9F] =	sst lr;
	_ =	strace $0xD0000000  }
0x3: {  	_ = 	snop  }
0x4: {  	_ = 	snop  }
0x5: {  	_ = 	snop  }
0x6: {  	_ = 	snop  }
0x7: {  	_ = 	snop  }
__scs_overlays_trampoline_lowered:
0x8: {  	[smem:$0x3FAE] =	sst s0  }
0x9: {  	[smem:$0x3FAF] =	sst s1  }
0xa: {  	[smem:$0x3FB0] =	sst s2  }
0xb: {  	[smem:$0x3FB1] =	sst s3  }
0xc: {  	[smem:$0x3FB2] =	sst s4  }
0xd: {  	[smem:$0x3FB3] =	sst s5  }
0xe: {  	[smem:$0x3FB4] =	sst s6  }
0xf: {  	[smem:$0x3FB5] =	sst s7  }
0x10: {  	[smem:$0x3FB6] =	sst s8  }
0x11: {  	[smem:$0x3FB7] =	sst s9;
	s0 =	simm.s32 @!p0 $0x0  }
0x12: {  	s1 =	sld [smem:$0x3F9D];
	s0 =	simm.s32 @p0 $0x1  }
0x13: {  	[smem:$0x3FB8] =	sst s0;
	s0 =	simm.s32 @!p1 $0x0  }
0x14: {  	s2 =	sld [smem:$0x3F9C];
	s0 =	simm.s32 @p1 $0x1  }
0x15: {  	[smem:$0x3FB9] =	sst s0;
	s0 =	simm.s32 @!p2 $0x0  }
0x16: {  	s3 =	sld [smem:$0x3FDB];
	s0 =	simm.s32 @p2 $0x1  }
0x17: {  	s4 =	simm.s32 $0x1BF5;
	[smem:$0x3FBB] =	sst s0  }
0x18: {  	s0 =	sld [smem:$0x3F9E];
	_ =	swait.ge [sflag:s4], $0x0  }
0x19: {  	s7 =	sld [smem:$0x3F9F]  }
0x1a: {  	s8 =	sadd.s32 $0xFFFFE003, lr  }
0x1b: {  	s9 =	sadd.s32 $0xFFFFFEF7, lr;
	s5 =	simm.s32 $0xFFFFFFFF;
	p2 =	slt.u32 s8, $0xFFFFF086  }
0x1c: {  	p1 =	slt.u32 s9, $0xF7A;
	s5 =	simm.s32 @!p2 $0x0  }
0x1d: {  	s5 =	simm.s32 @p1 $0x1;
	p0 =	seq.s32 s7, s2  }
0x1e: {  	s7 =	smul.u32 @!p0 $0xF7A, s2;
	p2 =	seq.s32 @!p0 s5, $0x0  }
0x1f: {  	s9 =	smul.u32 $0xF7A, s1;
	s8 =	simm.s32 @!p0 $0x1BF5;
	p2 =	por !p2, p0  }
0x20: {  	[sflag:s8] =	ssyncset.s32 @!p0 $0xFFFFF086;
	s6 =	sadd.s32 @!p0 s3, s7;
	s7 =	simm.s32 @!p0 $0x108  }
0x21: {  	s3 =	sadd.s32 s3, s9;
	s6 =	sadd.s32 @!p0 $0x88, s6;
	s7 =	simm.s32 @p2 $0x1082  }
0x22: {  	[simem:s7], [sflag:s8] =	dma.local @!p0 [hbm:s6], $0xF7A  }
0x23: {  	s9 =	sor.u32 $0xD0000000, s2;
	s6 =	simm.s32 $0x108;
	_ =	swait.ge @!p0 [sflag:s8], $0x0  }
0x24: {  	s3 =	sadd.s32 $0x88, s3;
	s6 =	simm.s32 @!p1 $0x1082;
	[sflag:s4] =	ssyncset.s32 $0xFFFFF086  }
0x25: {  	[simem:s6], [sflag:s4] =	dma.local [hbm:s3], $0xF7A  }
0x26: {  	[smem:$0x3F9F] =	sst s1;
	(tag) =	ssettag s2;
	_ =	strace s9  }
0x27: {  	s1 =	sld [smem:$0x3FAF]  }
0x28: {  	s2 =	sld [smem:$0x3FB0]  }
0x29: {  	s4 =	sld [smem:$0x3FB2]  }
0x2a: {  	p0 =	seq.s32 s5, $0x0;
	s5 =	sld [smem:$0x3FB3]  }
0x2b: {  	s6 =	sld [smem:$0x3FB4]  }
0x2c: {  	s7 =	sld [smem:$0x3FB5]  }
0x2d: {  	s3 =	simm.s32 $0x108;
	s8 =	sld [smem:$0x3FB6]  }
0x2e: {  	s3 =	simm.s32 @!p0 $0x1082;
	s9 =	sld [smem:$0x3FB7]  }
0x2f: {  	lr =	sadd.s32 s0, s3;
	s0 =	sld [smem:$0x3FAE]  }
0x30: {  	s3 =	sld [smem:$0x3FB1]  }
0x31: {  	[smem:$0x3FBA] =	sst s10  }
0x32: {  	s10 =	sld [smem:$0x3FB8];
	_ =	sdelay $0x3  }
0x33: {  	p0 =	seq.s32 s10, $0x1;
	s10 =	sld [smem:$0x3FBA];
	_ =	sdelay $0x3  }
0x34: {  	[smem:$0x3FBA] =	sst s10  }
0x35: {  	s10 =	sld [smem:$0x3FB9];
	_ =	sdelay $0x3  }
0x36: {  	p1 =	seq.s32 s10, $0x1;
	s10 =	sld [smem:$0x3FBA];
	_ =	sdelay $0x3  }
0x37: {  	[smem:$0x3FBA] =	sst s10  }
0x38: {  	s10 =	sld [smem:$0x3FBB]  }
0x39: {  	_ = 	snop;
	(pc) =	sbr.ind lr, $3  }
0x3a: {  	_ = 	snop  }
0x3b: {  	_ = 	snop  }
0x3c: {  	p2 =	seq.s32 s10, $0x1;
	s10 =	sld [smem:$0x3FBA]  }
0x3d: {  	_ =	shalt  }
0x3e: {  	_ =	shalt  }
0x3f: {  	_ =	shalt  }
0x40: {  	_ =	shalt  }
0x41: {  	_ =	shalt  }
0x42: {  	_ =	shalt  }
0x43: {  	_ =	shalt  }
0x44: {  	_ =	shalt  }
0x45: {  	_ =	shalt  }
0x46: {  	_ =	shalt  }
0x47: {  	_ =	shalt  }
0x48: {  	_ =	shalt  }
0x49: {  	_ =	shalt  }
0x4a: {  	_ =	shalt  }
0x4b: {  	_ =	shalt  }
0x4c: {  	_ =	shalt  }
0x4d: {  	_ =	shalt  }
0x4e: {  	_ =	shalt  }
0x4f: {  	_ =	shalt  }
0x50: {  	_ =	shalt  }
0x51: {  	_ =	shalt  }
0x52: {  	_ =	shalt  }
0x53: {  	_ =	shalt  }
0x54: {  	_ =	shalt  }
0x55: {  	_ =	shalt  }
0x56: {  	_ =	shalt  }
0x57: {  	_ =	shalt  }
0x58: {  	_ =	shalt  }
0x59: {  	_ =	shalt  }
0x5a: {  	_ =	shalt  }
0x5b: {  	_ =	shalt  }
0x5c: {  	_ =	shalt  }
0x5d: {  	_ =	shalt  }
0x5e: {  	_ =	shalt  }
0x5f: {  	_ =	shalt  }
0x60: {  	_ =	shalt  }
0x61: {  	_ =	shalt  }
0x62: {  	_ =	shalt  }
0x63: {  	_ =	shalt  }
0x64: {  	_ =	shalt  }
0x65: {  	_ =	shalt  }
0x66: {  	_ =	shalt  }
0x67: {  	_ =	shalt  }
0x68: {  	_ =	shalt  }
0x69: {  	_ =	shalt  }
0x6a: {  	_ =	shalt  }
0x6b: {  	_ =	shalt  }
0x6c: {  	_ =	shalt  }
0x6d: {  	_ =	shalt  }
0x6e: {  	_ =	shalt  }
0x6f: {  	_ =	shalt  }
0x70: {  	_ =	shalt  }
0x71: {  	_ =	shalt  }
0x72: {  	_ =	shalt  }
0x73: {  	_ =	shalt  }
0x74: {  	_ =	shalt  }
0x75: {  	_ =	shalt  }
0x76: {  	_ =	shalt  }
0x77: {  	_ =	shalt  }
0x78: {  	_ =	shalt  }
0x79: {  	_ =	shalt  }
0x7a: {  	_ =	shalt  }
0x7b: {  	_ =	shalt  }
0x7c: {  	_ =	shalt  }
0x7d: {  	_ =	shalt  }
0x7e: {  	_ =	shalt  }
0x7f: {  	_ =	shalt  }
0x80: {  	_ =	shalt  }
0x81: {  	_ =	shalt  }
0x82: {  	_ =	shalt  }
0x83: {  	_ =	shalt  }
0x84: {  	_ =	shalt  }
0x85: {  	_ =	shalt  }
0x86: {  	_ =	shalt  }
0x87: {  	_ =	shalt  }
.Lfunc_end0:
.L_simem_size_0:
called_computation.1_lowered:
.L_overlay_start_0:
0x88: {  	s2 =	sld [smem:$0x3FD9]  }
0x89: {  	s3 =	sld [smem:$0x3FFE];
	_ =	sdelay $0x1  }
0x8a: {  	s1 =	srdreg.scid  }
0x8b: {  	s0 =	sand.u32 $0x1, s1  }
0x8c: {  	s16 =	sshll.u32 s0, $0xA;
	s2 =	sadd.s32 s3, s2  }
0x8d: {  	s2 =	sadd.s32 s2, s16  }
0x8e: {  	[smem:$0x3FC6] =	sst s2  }
0x8f: {  	_ = 	snop  }
0x90: {  	(tm) =	ssettm $0x1  }
0x91: {  	s17 =	sld [smem:$0x3FFB];
	_ =	sdelay $0x3  }
0x92: {  	_ =	strace s17  }
0x93: {  	s2 =	sld [smem:$0x3FFC];
	_ =	sdelay $0x3  }
0x94: {  	_ =	strace s2  }
0x95: {  	s2 =	sld [smem:$0x3FFD];
	_ =	sdelay $0x3  }
0x96: {  	_ =	strace s2  }
0x97: {  	_ =	strace $0x8FFFFFFF  }
0x98: {  	s18 =	sld [smem:$0x3FDB];
	_ =	sdelay $0x1  }
0x99: {  	s19 =	simm.s32 $_scs_section_size  }
0x9a: {  	s4 =	simm.s32 $_size__tile_overlayer_lowered;
	s5 =	simm.s32 $_tile_overlayer_lowered  }
0x9b: {  	s22 =	simm.s32 $0x1BFF;
	s21 =	sshll.u32 s5, $0x1;
	s2 =	sadd.s32 s19, s18  }
0x9c: {  	s6 =	simm.s32 $0x0;
	s20 =	sshll.u32 s4, $0x1;
	s4 =	sadd.s32 s21, s2  }
0x9d: {  	[timem:s6], [sflag:s22] =	dma.local [hbm:s4], s20  }
0x9e: {  	_ =	swait.ge [sflag:s22], s20  }
0x9f: {  	s3 =	ssub.s32 $0x0, s20;
	[sflag:s22] =	ssyncset.done $0x0  }
0xa0: {  	[sflag:s22] =	ssyncadd.s32 s3;
	_ =	sdelay $0x1  }
0xa1: {  	s23 =	simm.s32 $0x1B8B  }
0xa2: {  	_ =	swait.ge [sflag:s23], $0x1  }
0xa3: {  	[sflag:s23] =	ssyncset.done $0x0  }
0xa4: {  	s25 =	simm.s32 $0x1B8E;
	s24 =	sld [smem:$0x3FFE];
	[sflag:s23] =	ssyncadd.s32 $0xFFFFFFFF  }
0xa5: {  	s26 =	simm.s32 $execute0_lowered;
	[smem:$0x3FD2] =	sst s25  }
0xa6: {  	s4 =	sshll.u32 s26, $0x1;
	_ =	strace $0x80000046;
	[dreg:$0x1] =	wrdreg $0xFFFFFFFF  }
0xa7: {  	s28 =	simm.s32 $_size_execute0_lowered;
	s2 =	sadd.s32 s2, s4;
	[dreg:$0x0] =	wrdreg $0x0  }
0xa8: {  	s4 =	sshll.u32 s28, $0x1;
	[dreg:$0x2] =	wrdreg s2  }
0xa9: {  	[dreg:$0x3] =	wrdreg s4  }
0xaa: {  	[dreg:$0x4] =	wrdreg $0xC0  }
0xab: {  	_ =	task [dreg:s6], $0x5FFFF  }
0xac: {  	[dreg:$0x1] =	wrdreg $0xFFFFFFFF  }
0xad: {  	[dreg:$0x0] =	wrdreg $0x60  }
0xae: {  	[dreg:$0x2] =	wrdreg s24  }
0xaf: {  	[dreg:$0x3] =	wrdreg $0x82000  }
0xb0: {  	[dreg:$0x4] =	wrdreg $0xA  }
0xb1: {  	_ =	task.clear_ibuf [dreg:s6], $0x5FFFF;
	_ =	strace $0x90000046  }
0xb2: {  	s29 =	simm.s32 $0xA;
	_ =	strace $0x80000048  }
0xb3: {  	_ =	swait.ge [sflag:s29], $0x1  }
0xb4: {  	[sflag:s29] =	ssyncadd.s32 $0xFFFFFFFF  }
0xb5: {  	_ =	strace $0x90000048  }
0xb6: {  	_ =	sfence  }
0xb7: {  	s30 =	sld [smem:$0x0];
	_ =	sdelay $0x2  }
0xb8: {  	s31 =	sshll.u32 s1, $0xD;
	s1 =	sshrl.u32 s1, $0x2  }
0xb9: {  	s3 =	sand.u32 $0x4000, s31;
	s1 =	sadd.s32 s1, s30  }
0xba: {  	s0 =	sor.u32 s3, s0;
	s1 =	sshll.u32 s1, $0x11  }
0xbb: {  	s0 =	sor.u32 s1, s0  }
0xbc: {  	s0 =	sadd.s32 $0x8F2B, s0  }
0xbd: {  	[sflag:s0] =	ssyncadd.remote.s32 $0x1  }
0xbe: {  	_ =	sfence.sel $0xFFFF  }
0xbf: {  	[dreg:$0x0] =	wrdreg $0xFFFFFFFF;
	(pc) =	sbr.abs _section_cstart, $3  }
0xc0: {  	[dreg:$0x1] =	wrdreg $0xFFFFFFFF  }
0xc1: {  	_ =	task.clear_ibuf [dreg:s6], $0x2FFFF;
	_ =	strace $0x9FFFFFFF  }
0xc2: {  	(tm) =	ssettm $0x7FFFFFFF  }
0xc3: {  	_ =	shalt  }
tec
execute0_lowered:
.L_overlay_start_1:
0x0: {  	(tag) =	ssettag $0x1  }
0x1: {  	s10 =	rddreg [dreg:$0x0]  }
0x2: {  	s5 =	rddreg [dreg:$0x1]  }
0x3: {  	s1 =	srdreg.scid;
	s0 =	rddreg [dreg:$0x2]  }
0x4: {  	s2 =	simm.s32 $0x0;
	s16 =	simm.s32 $0x200;
	s17 =	simm.s32 $0x2  }
0x5: {  	s18 =	simm.s32 $0x4200;
	s19 =	simm.s32 $0x3;
	s6 =	sand.u32 $0x1, s1  }
0x6: {  	s20 =	simm.s32 $0x4;
	s1 =	stileid.u32;
	s7 =	smul.u32 $0x140000, s6  }
0x7: {  	s21 =	simm.s32 $0x0;
	[smem:$0x7FF] =	sst s2;
	s8 =	smul.u32 $0x14000, s1  }
0x8: {  	s3 =	sadd.s32 $0x14000, s10;
	s4 =	sadd.s32 $0x3C000, s10;
	s9 =	smul.u32 $0x50000, s1  }
0x9: {  	_ =	strace $0x80000047;
	s29 =	sshll.u32 s6, $0x4;
	s14 =	smul.u32 $0xA000, s6  }
0xa: {  	s11 =	ssub.s32 $0x2, s6;
	s31 =	sshll.u32 s1, $0x6;
	s15 =	smul.u32 $0xA00, s1  }
0xb: {  	s12 =	sshrl.u32 s11, $0x1;
	s6 =	sor.u32 $0x1C05, s31;
	s7 =	sadd.s32 s8, s7  }
0xc: {  	s8 =	sor.u32 s1, s29;
	s9 =	sshrl.u32 s9, $0x2;
	s11 =	ssub.s32 s11, s12  }
0xd: {  	s12 =	simm.s32 $0x5;
	s7 =	sshrl.u32 s7, $0x3;
	s8 =	smul.u32 $0xA00, s8  }
0xe: {  	s30 =	sadd.s32 s9, s5;
	s9 =	smax.u32 s11, $0x1;
	s13 =	sadd.s32 s7, s10  }
0xf: {  	s11 =	sshrl.u32 s30, $0x3;
	s5 =	sadd.s32 s10, s8;
	s8 =	sadd.s32 $0x3E800, s13  }
0x10: {  	s10 =	sadd.s32 s14, s10;
	s13 =	simm.s32 $0x100;
	s14 =	simm.s32 $0x1  }
0x11: {  	s7 =	sadd.s32 $0x20, s5;
	s10 =	sadd.s32 s15, s10;
	s15 =	simm.s32 $0x80  }
.LBB2_1:
0x12: {  	[spmem:s11], [sflag:s6] =	dma.local [hbm:s4], $0x2800  }
0x13: {  	_ =	swait.ge [sflag:s12], $0x2800  }
0x14: {  	[sflag:s12] =	ssyncset.done $0x0  }
0x15: {  	[sflag:s12] =	ssyncadd.s32 $0xFFFFD800  }
0x16: {  	[tilespmem:s2], [sflag:$0x1] =	stream.linear.gather [hbm4b:s5+s2], $0x100, $0x38;
	[tilespmem:$0x1C200] =	vst v63  }
0x17: {  	_ = 	snop  }
0x18: {  	[tilespmem:s13], [sflag:$0x2] =	stream.linear.gather [hbm4b:s7+s2], $0x100, $0x38;
	[tilespmem:$0x1C200] =	vst v63  }
0x19: {  	[bflag:$0x0] =	sbarrier.arrive $0xFFFF  }
0x1a: {  	_ =	swait.ge [sflag:s14], $0x100  }
0x1b: {  	[sflag:s14] =	ssyncset.done $0x0  }
0x1c: {  	[sflag:s14] =	ssyncadd.s32 $0xFFFFFF00  }
0x1d: {  	[tilespmem:s16], [sflag:$0x3] =	stream.indirect.gather [hbm4b:s3+s15], $0x80, s2, s15, $0xb8;
	[tilespmem:$0x1C200] =	vst v63  }
0x1e: {  	_ =	swait.ge [sflag:s17], $0x100  }
0x1f: {  	[sflag:s17] =	ssyncset.done $0x0  }
0x20: {  	[sflag:s17] =	ssyncadd.s32 $0xFFFFFF00  }
0x21: {  	[tilespmem:s18], [sflag:$0x4] =	stream.indirect.gather [hbm4b:s3+s15], $0x80, s13, s15, $0xb8;
	[tilespmem:$0x1C200] =	vst v63  }
0x22: {  	_ =	swait.ge [sflag:s19], $0x4000  }
0x23: {  	s23 =	sadd.s32 $0xFFFFF640, s10;
	[sflag:s19] =	ssyncset.done $0x0  }
0x24: {  	s22 =	sadd.s32 $0xA00, s23;
	[sflag:s19] =	ssyncadd.s32 $0xFFFFC000  }
0x25: {  	[tilespmem:s2], [sflag:$0x1] =	stream.linear.gather [hbm4b:s22+s2], $0x100, $0x38;
	[tilespmem:$0x1C200] =	vst v63  }
0x26: {  	_ =	swait.ge [sflag:s14], $0x100  }
0x27: {  	[sflag:s14] =	ssyncset.done $0x0  }
0x28: {  	[sflag:s14] =	ssyncadd.s32 $0xFFFFFF00  }
0x29: {  	[tilespmem:s16], [sflag:$0x3] =	stream.indirect.gather [hbm4b:s3+s15], $0x80, s2, s15, $0xb8;
	[tilespmem:$0x1C200] =	vst v63  }
0x2a: {  	_ =	swait.ge [sflag:s20], $0x4000  }
0x2b: {  	[sflag:s20] =	ssyncset.done $0x0  }
0x2c: {  	s23 =	sadd.s32 $0xA20, s23;
	s22 =	simm.s32 $0xFFFFF680;
	[sflag:s20] =	ssyncadd.s32 $0xFFFFC000  }
.LBB2_2:
0x2d: {  	[tilespmem:s13], [sflag:$0x2] =	stream.linear.gather [hbm4b:s23+s2], $0x100, $0x38;
	[tilespmem:$0x1C200] =	vst v63  }
0x2e: {  	s23 =	smov.u32 s22  }
0x2f: {  	p0 =	sne.s32 s22, $0xFFFFFFC0;
	s22 =	sadd.s32 $0x40, s22;
	_ =	swait.ge [sflag:s17], $0x100  }
0x30: {  	[sflag:s17] =	ssyncset.done $0x0  }
0x31: {  	[sflag:s17] =	ssyncadd.s32 $0xFFFFFF00  }
0x32: {  	[tilespmem:s18], [sflag:$0x4] =	stream.indirect.gather [hbm4b:s3+s15], $0x80, s13, s15, $0xb8;
	[tilespmem:$0x1C200] =	vst v63  }
0x33: {  	_ =	swait.ge [sflag:s19], $0x4000  }
0x34: {  	s23 =	sadd.s32 s23, s10;
	[sflag:s19] =	ssyncset.done $0x0  }
0x35: {  	s24 =	sadd.s32 $0xA00, s23;
	[sflag:s19] =	ssyncadd.s32 $0xFFFFC000  }
0x36: {  	[tilespmem:s2], [sflag:$0x1] =	stream.linear.gather [hbm4b:s24+s2], $0x100, $0x38;
	[tilespmem:$0x1C200] =	vst v63  }
0x37: {  	_ =	swait.ge [sflag:s14], $0x100  }
0x38: {  	[sflag:s14] =	ssyncset.done $0x0  }
.Ltmp0:
0x39: {  	[sflag:s14] =	ssyncadd.s32 $0xFFFFFF00;
	(pc) =	sbr.rel @p0 .LBB2_2-.Ltmp0, $4  }
0x3a: {  	[tilespmem:s16], [sflag:$0x3] =	stream.indirect.gather [hbm4b:s3+s15], $0x80, s2, s15, $0xb8;
	[tilespmem:$0x1C200] =	vst v63  }
0x3b: {  	_ =	swait.ge [sflag:s20], $0x4000  }
0x3c: {  	[sflag:s20] =	ssyncset.done $0x0  }
0x3d: {  	s23 =	sadd.s32 $0xA20, s23;
	[sflag:s20] =	ssyncadd.s32 $0xFFFFC000  }
0x3e: {  	[tilespmem:s13], [sflag:$0x2] =	stream.linear.gather [hbm4b:s23+s2], $0x100, $0x38;
	[tilespmem:$0x1C200] =	vst v63  }
0x3f: {  	_ =	swait.ge [sflag:s17], $0x100  }
0x40: {  	[sflag:s17] =	ssyncset.done $0x0  }
0x41: {  	[sflag:s17] =	ssyncadd.s32 $0xFFFFFF00  }
0x42: {  	[tilespmem:s18], [sflag:$0x4] =	stream.indirect.gather [hbm4b:s3+s15], $0x80, s13, s15, $0xb8;
	[tilespmem:$0x1C200] =	vst v63  }
0x43: {  	_ =	swait.ge [sflag:s19], $0x4000  }
0x44: {  	[sflag:s19] =	ssyncset.done $0x0  }
0x45: {  	[sflag:s19] =	ssyncadd.s32 $0xFFFFC000  }
0x46: {  	_ =	swait.ge [sflag:s20], $0x4000  }
0x47: {  	s21 =	sadd.s32 $0x1, s21;
	[sflag:s20] =	ssyncset.done $0x0  }
0x48: {  	p0 =	sne.s32 s21, s9;
	[sflag:s20] =	ssyncadd.s32 $0xFFFFC000  }
.Ltmp1:
0x49: {  	[bflag:$0x0] =	sbarrier.arrive $0xFFFF;
	(pc) =	sbr.rel @p0 .LBB2_1-.Ltmp1, $4  }
0x4a: {  	[hbm:s8], [sflag:s6] =	dma.local [spmem:s11], $0x2800  }
0x4b: {  	_ =	swait.ge [sflag:s12], $0x2800  }
0x4c: {  	[sflag:s12] =	ssyncset.done $0x0  }
0x4d: {  	[sflag:s12] =	ssyncadd.s32 $0xFFFFD800  }
0x4e: {  	_ =	sfence.sel $0x180000  }
0x4f: {  	[bflag:$0x0] =	sbarrier.arrive $0xFFFF  }
0x50: {  	p0 =	sne.s32 s1, $0x0;
	_ =	strace $0x90000047  }
0x51: {  	s0 =	sadd.s32 @!p0 $0x100000, s0;
	[bflag:$0x2] =	sbarrier.arrive $0xFFFF  }
0x52: {  	[sflag:s0] =	ssyncadd.tile.s32 @!p0 $0x1;
	_ =	shalt  }
.Lfunc_end2:
_tile_overlayer_lowered:
.L_overlay_start_2:
0x53: {  	(tag) =	ssettag $0x2  }
0x54: {  	s0 =	rddreg [dreg:$0x0];
	s2 =	stileid.u32  }
0x55: {  	s1 =	rddreg [dreg:$0x1];
	p0 =	sne.s32 s2, $0x0  }
0x56: {  	s3 =	rddreg [dreg:$0x2];
	[bflag:$0x3] =	sbarrier.arrive $0xFFFF;
	s2 =	simm.s32 @!p0 $0x1C05  }
0x57: {  	[timem:s3], [sflag:s2] =	dma.local @!p0 [hbm:s0], s1  }
0x58: {  	s0 =	simm.s32 @!p0 $0x5  }
0x59: {  	_ =	swait.ge @!p0 [sflag:s0], s1  }
0x5a: {  	s1 =	ssub.s32 @!p0 $0x0, s1;
	[sflag:s0] =	ssyncset.done @!p0 $0x0  }
0x5b: {  	[sflag:s0] =	ssyncadd.s32 @!p0 s1  }
0x5c: {  	[bflag:$0x3] =	sbarrier.arrive $0xFFFF  }
0x5d: {  	_ =	shalt  }

</sc_bundles>
